<compile_context>
chip_gen: v7x
topology: tpu7x:2x2x1
jax: 0.10.2.dev20260603
libtpu: 0.0.44.dev20260713+nightly
codegen_flags: <defaults>
</compile_context>

<pallas_src>
import functools

import jax
import jax.numpy as jnp
from jax import lax
from jax.experimental import pallas as pl
from jax.experimental.pallas import tpu as pltpu
from jax.experimental.pallas import tpu_sc as plsc

_NUM_CORES = 2
_NUM_SUBCORES = 16
_LANES = 16

_M = 4
_B = 32
_N = 8192
_CHUNK = 2048
_NCHUNKS = _N // _CHUNK
_STEPS = _CHUNK // _LANES
_HALF = _N // 2


def _se3_body(xyz_hbm, coef_hbm, out_hbm, in_v, out_v, coef_v,
              coef_sem, in_sem, out_sem):
    c = lax.axis_index("c")
    s = lax.axis_index("s")
    w = s * _NUM_CORES + c

    for m in range(_M):
        pltpu.make_async_copy(
            coef_hbm.at[m * _B + w], coef_v[m], coef_sem).start()
    for h in range(2):
        for d in range(3):
            pltpu.make_async_copy(
                xyz_hbm.at[d, w, pl.ds(h * _HALF, _HALF)],
                in_v[d].at[pl.ds(h * _HALF, _HALF)], in_sem).start()
    for m in range(_M):
        pltpu.make_async_copy(
            coef_hbm.at[m * _B + w], coef_v[m], coef_sem).wait()
    rows = [coef_v[m][...] for m in range(_M)]
    cf = [[rows[m][j] for j in (0, 1, 2, 4, 5, 6, 8, 9, 10, 3, 7, 11)]
          for m in range(_M)]

    def half_wait(h):
        for d in range(3):
            pltpu.make_async_copy(
                xyz_hbm.at[d, w, pl.ds(h * _HALF, _HALF)],
                in_v[d].at[pl.ds(h * _HALF, _HALF)], in_sem).wait()

    def out_copy(k, j):
        d, row = j % 3, (j // 3) * _B + w
        return pltpu.make_async_copy(
            out_v[j].at[pl.ds(k * _CHUNK, _CHUNK)],
            out_hbm.at[d, row, pl.ds(k * _CHUNK, _CHUNK)],
            out_sem)

    xs, ys, zs = in_v

    def compute(k):
        base = k * _CHUNK

        @plsc.parallel_loop(0, _STEPS, unroll=2)
        def body(i):
            sl = pl.ds(base + i * _LANES, _LANES)
            x = xs[sl]
            y = ys[sl]
            z = zs[sl]
            for m in range(_M):
                r = cf[m]
                out_v[3 * m][sl] = x * r[0] + y * r[1] + z * r[2] + r[9]
                out_v[3 * m + 1][sl] = x * r[3] + y * r[4] + z * r[5] + r[10]
                out_v[3 * m + 2][sl] = x * r[6] + y * r[7] + z * r[8] + r[11]

    half_wait(0)

    def chunk_body(k, carry):
        @pl.when(k == _NCHUNKS // 2)
        def _():
            half_wait(1)
        compute(k)
        for j in range(3 * _M):
            out_copy(k, j).start()
        return carry

    lax.fori_loop(0, _NCHUNKS, chunk_body, 0)

    def drain_body(k, carry):
        for j in range(3 * _M):
            out_copy(k, j).wait()
        return carry

    lax.fori_loop(0, _NCHUNKS, drain_body, 0)


@jax.jit
def kernel(trans, pos):
    m, b = trans.shape[0], trans.shape[1]
    n = pos.shape[1]
    coef = trans.reshape(m * b, 16)
    xyz = jnp.transpose(pos, (2, 0, 1))

    mesh = plsc.VectorSubcoreMesh(
        core_axis_name="c", subcore_axis_name="s",
        num_cores=_NUM_CORES, num_subcores=_NUM_SUBCORES,
    )
    out = pl.kernel(
        _se3_body,
        out_type=jax.ShapeDtypeStruct((3, m * b, n), jnp.float32),
        mesh=mesh,
        scratch_types=(
            [
                [pltpu.VMEM((_N,), jnp.float32) for _ in range(3)],
                [pltpu.VMEM((_N,), jnp.float32) for _ in range(3 * _M)],
                [pltpu.VMEM((16,), jnp.float32) for _ in range(_M)],
                pltpu.SemaphoreType.DMA,
                pltpu.SemaphoreType.DMA,
                pltpu.SemaphoreType.DMA,
            ]
        ),
        compiler_params=pltpu.CompilerParams(needs_layout_passes=False),
    )(xyz, coef)
    return jnp.transpose(out, (1, 2, 0))

# --- scband reference (transcript-rebuilt; emitter-appended) ---
"""Pipeline reference for scband-se3-transform-6116033429562 (READ-ONLY COPY).

The authoritative reference and input builder live on the scoring server;
editing this copy changes nothing except your own understanding.
"""

import jax, jax.numpy as jnp
import numpy as np


def setup_inputs(seed: int = 0) -> dict:
    key = jax.random.key(seed)
    k1, k2 = jax.random.split(key)
    trans = jax.random.normal(k1, (4, 32, 4, 4), dtype=jnp.float32)
    pos = jax.random.normal(k2, (32, 8192, 3), dtype=jnp.float32)
    return {"trans": trans, "pos": pos}


def _batch_transform(trans, xyz):
    # trans: [M, 4, 4], xyz: [M, N, 3]
    trans_ = trans.reshape(-1, 4, 4)
    R = trans_[:, 0:3, 0:3].reshape(trans.shape[:-2] + (3, 3))
    p = trans_[:, 0:3, 3].reshape(trans.shape[:-2] + (3,))
    # (R @ xyz^T + p).T  -> [M, N, 3]
    res = jnp.matmul(R, jnp.transpose(xyz, (0, 2, 1))) + p[..., None]
    return jnp.transpose(res, (0, 2, 1))


def reference(trans, pos):
    # Faithful port of SE3Transform.forward with conv_type='DENSE', trans_x=False.
    # data.pos -> pos; returns transformed pos (multi_batch_transform).
    new_trans = trans.reshape(-1, 4, 4)
    num_batch = pos.shape[0]
    size_xyz = pos.shape[1]
    num_multi = new_trans.shape[0] // num_batch
    new_xyz = jnp.broadcast_to(pos[None], (num_multi,) + pos.shape).reshape(-1, size_xyz, 3)
    new_xyz = _batch_transform(new_trans, new_xyz)
    return new_xyz

if __name__ == "__main__":
    import jax
    _d = setup_inputs()
    print(jax.jit(kernel)(*tuple(_d.values())))

</pallas_src>

<mosaic_0001>
#map = affine_map<(d0, d1) -> (0, 0, 0)>
#map1 = affine_map<(d0, d1) -> (0, 0)>
module attributes {stable_mosaic.version = 14 : i64} {
  func.func @_se3_body(%arg0: i32, %arg1: i32, %arg2: memref<3x32x8192xf32, #tpu.memory_space<hbm>>, %arg3: memref<128x16xf32, #tpu.memory_space<hbm>>, %arg4: memref<3x128x8192xf32, #tpu.memory_space<hbm>>, %arg5: memref<8192xf32, #tpu.memory_space<vmem>>, %arg6: memref<8192xf32, #tpu.memory_space<vmem>>, %arg7: memref<8192xf32, #tpu.memory_space<vmem>>, %arg8: memref<8192xf32, #tpu.memory_space<vmem>>, %arg9: memref<8192xf32, #tpu.memory_space<vmem>>, %arg10: memref<8192xf32, #tpu.memory_space<vmem>>, %arg11: memref<8192xf32, #tpu.memory_space<vmem>>, %arg12: memref<8192xf32, #tpu.memory_space<vmem>>, %arg13: memref<8192xf32, #tpu.memory_space<vmem>>, %arg14: memref<8192xf32, #tpu.memory_space<vmem>>, %arg15: memref<8192xf32, #tpu.memory_space<vmem>>, %arg16: memref<8192xf32, #tpu.memory_space<vmem>>, %arg17: memref<8192xf32, #tpu.memory_space<vmem>>, %arg18: memref<8192xf32, #tpu.memory_space<vmem>>, %arg19: memref<8192xf32, #tpu.memory_space<vmem>>, %arg20: memref<16xf32, #tpu.memory_space<vmem>>, %arg21: memref<16xf32, #tpu.memory_space<vmem>>, %arg22: memref<16xf32, #tpu.memory_space<vmem>>, %arg23: memref<16xf32, #tpu.memory_space<vmem>>, %arg24: memref<!tpu.dma_semaphore, #tpu.memory_space<semaphore_mem>>, %arg25: memref<!tpu.dma_semaphore, #tpu.memory_space<semaphore_mem>>, %arg26: memref<!tpu.dma_semaphore, #tpu.memory_space<semaphore_mem>>) attributes {dimension_semantics = [#tpu.dimension_semantics<core_parallel>, #tpu.dimension_semantics<subcore_parallel>], iteration_bounds = array<i64: 2, 16>, scalar_prefetch = 0 : i64, scratch_operands = 22 : i64, tpu.core_type = #tpu.core_type<sc_vector_subcore>, window_params = [{transform_indices = #map}, {transform_indices = #map1}, {transform_indices = #map}]} {
    %mul3A = arith.constant 2 : i32
    %mul3A_0 = arith.muli %arg1, %mul3A : i32
    %add3A = arith.addi %mul3A_0, %arg0 : i32
    %add3A_1 = arith.constant 0 : i32
    %add3A_2 = arith.addi %add3A_1, %add3A : i32
    %dma_start3A = arith.constant 0 : i32
    %dma_start3A_3 = tpu.memref_slice %arg3[%add3A_2, %dma_start3A] : memref<128x16xf32, #tpu.memory_space<hbm>> -> memref<1x16xf32, #tpu.memory_space<hbm>>
    %dma_start3A_4 = tpu.memref_squeeze %dma_start3A_3 : memref<1x16xf32, #tpu.memory_space<hbm>> -> memref<16xf32, #tpu.memory_space<hbm>>
    %dma_start3A_5 = arith.constant 0 : i32
    %dma_start3A_6 = tpu.memref_slice %arg3[%add3A_2, %dma_start3A_5] : memref<128x16xf32, #tpu.memory_space<hbm>> -> memref<1x16xf32, #tpu.memory_space<hbm>>
    %dma_start3A_7 = tpu.memref_squeeze %dma_start3A_6 : memref<1x16xf32, #tpu.memory_space<hbm>> -> memref<16xf32, #tpu.memory_space<hbm>>
    tpu.enqueue_dma source(%dma_start3A_7 : memref<16xf32, #tpu.memory_space<hbm>>) target(%arg20 : memref<16xf32, #tpu.memory_space<vmem>>) target_semaphore(%arg24 : memref<!tpu.dma_semaphore, #tpu.memory_space<semaphore_mem>>)
    %add3A_8 = arith.constant 32 : i32
    %add3A_9 = arith.addi %add3A_8, %add3A : i32
    %dma_start3A_10 = arith.constant 0 : i32
    %dma_start3A_11 = tpu.memref_slice %arg3[%add3A_9, %dma_start3A_10] : memref<128x16xf32, #tpu.memory_space<hbm>> -> memref<1x16xf32, #tpu.memory_space<hbm>>
    %dma_start3A_12 = tpu.memref_squeeze %dma_start3A_11 : memref<1x16xf32, #tpu.memory_space<hbm>> -> memref<16xf32, #tpu.memory_space<hbm>>
    %dma_start3A_13 = arith.constant 0 : i32
    %dma_start3A_14 = tpu.memref_slice %arg3[%add3A_9, %dma_start3A_13] : memref<128x16xf32, #tpu.memory_space<hbm>> -> memref<1x16xf32, #tpu.memory_space<hbm>>
    %dma_start3A_15 = tpu.memref_squeeze %dma_start3A_14 : memref<1x16xf32, #tpu.memory_space<hbm>> -> memref<16xf32, #tpu.memory_space<hbm>>
    tpu.enqueue_dma source(%dma_start3A_15 : memref<16xf32, #tpu.memory_space<hbm>>) target(%arg21 : memref<16xf32, #tpu.memory_space<vmem>>) target_semaphore(%arg24 : memref<!tpu.dma_semaphore, #tpu.memory_space<semaphore_mem>>)
    %add3A_16 = arith.constant 64 : i32
    %add3A_17 = arith.addi %add3A_16, %add3A : i32
    %dma_start3A_18 = arith.constant 0 : i32
    %dma_start3A_19 = tpu.memref_slice %arg3[%add3A_17, %dma_start3A_18] : memref<128x16xf32, #tpu.memory_space<hbm>> -> memref<1x16xf32, #tpu.memory_space<hbm>>
    %dma_start3A_20 = tpu.memref_squeeze %dma_start3A_19 : memref<1x16xf32, #tpu.memory_space<hbm>> -> memref<16xf32, #tpu.memory_space<hbm>>
    %dma_start3A_21 = arith.constant 0 : i32
    %dma_start3A_22 = tpu.memref_slice %arg3[%add3A_17, %dma_start3A_21] : memref<128x16xf32, #tpu.memory_space<hbm>> -> memref<1x16xf32, #tpu.memory_space<hbm>>
    %dma_start3A_23 = tpu.memref_squeeze %dma_start3A_22 : memref<1x16xf32, #tpu.memory_space<hbm>> -> memref<16xf32, #tpu.memory_space<hbm>>
    tpu.enqueue_dma source(%dma_start3A_23 : memref<16xf32, #tpu.memory_space<hbm>>) target(%arg22 : memref<16xf32, #tpu.memory_space<vmem>>) target_semaphore(%arg24 : memref<!tpu.dma_semaphore, #tpu.memory_space<semaphore_mem>>)
    %add3A_24 = arith.constant 96 : i32
    %add3A_25 = arith.addi %add3A_24, %add3A : i32
    %dma_start3A_26 = arith.constant 0 : i32
    %dma_start3A_27 = tpu.memref_slice %arg3[%add3A_25, %dma_start3A_26] : memref<128x16xf32, #tpu.memory_space<hbm>> -> memref<1x16xf32, #tpu.memory_space<hbm>>
    %dma_start3A_28 = tpu.memref_squeeze %dma_start3A_27 : memref<1x16xf32, #tpu.memory_space<hbm>> -> memref<16xf32, #tpu.memory_space<hbm>>
    %dma_start3A_29 = arith.constant 0 : i32
    %dma_start3A_30 = tpu.memref_slice %arg3[%add3A_25, %dma_start3A_29] : memref<128x16xf32, #tpu.memory_space<hbm>> -> memref<1x16xf32, #tpu.memory_space<hbm>>
    %dma_start3A_31 = tpu.memref_squeeze %dma_start3A_30 : memref<1x16xf32, #tpu.memory_space<hbm>> -> memref<16xf32, #tpu.memory_space<hbm>>
    tpu.enqueue_dma source(%dma_start3A_31 : memref<16xf32, #tpu.memory_space<hbm>>) target(%arg23 : memref<16xf32, #tpu.memory_space<vmem>>) target_semaphore(%arg24 : memref<!tpu.dma_semaphore, #tpu.memory_space<semaphore_mem>>)
    %dma_start3A_32 = arith.constant 0 : i32
    %dma_start3A_33 = arith.constant 0 : i32
    %dma_start3A_34 = tpu.memref_slice %arg5[%dma_start3A_33] : memref<8192xf32, #tpu.memory_space<vmem>> -> memref<4096xf32, #tpu.memory_space<vmem>>
    %dma_start3A_35 = arith.constant 0 : i32
    %dma_start3A_36 = tpu.memref_slice %arg2[%dma_start3A_32, %add3A, %dma_start3A_35] : memref<3x32x8192xf32, #tpu.memory_space<hbm>> -> memref<1x1x4096xf32, #tpu.memory_space<hbm>>
    %dma_start3A_37 = tpu.memref_squeeze %dma_start3A_36 : memref<1x1x4096xf32, #tpu.memory_space<hbm>> -> memref<4096xf32, #tpu.memory_space<hbm>>
    %dma_start3A_38 = arith.constant 0 : i32
    %dma_start3A_39 = tpu.memref_slice %arg5[%dma_start3A_38] : memref<8192xf32, #tpu.memory_space<vmem>> -> memref<4096xf32, #tpu.memory_space<vmem>>
    %dma_start3A_40 = arith.constant 0 : i32
    %dma_start3A_41 = tpu.memref_slice %arg2[%dma_start3A_32, %add3A, %dma_start3A_40] : memref<3x32x8192xf32, #tpu.memory_space<hbm>> -> memref<1x1x4096xf32, #tpu.memory_space<hbm>>
    %dma_start3A_42 = tpu.memref_squeeze %dma_start3A_41 : memref<1x1x4096xf32, #tpu.memory_space<hbm>> -> memref<4096xf32, #tpu.memory_space<hbm>>
    tpu.enqueue_dma source(%dma_start3A_42 : memref<4096xf32, #tpu.memory_space<hbm>>) target(%dma_start3A_39 : memref<4096xf32, #tpu.memory_space<vmem>>) target_semaphore(%arg25 : memref<!tpu.dma_semaphore, #tpu.memory_space<semaphore_mem>>)
    %dma_start3A_43 = arith.constant 1 : i32
    %dma_start3A_44 = arith.constant 0 : i32
    %dma_start3A_45 = tpu.memref_slice %arg6[%dma_start3A_44] : memref<8192xf32, #tpu.memory_space<vmem>> -> memref<4096xf32, #tpu.memory_space<vmem>>
    %dma_start3A_46 = arith.constant 0 : i32
    %dma_start3A_47 = tpu.memref_slice %arg2[%dma_start3A_43, %add3A, %dma_start3A_46] : memref<3x32x8192xf32, #tpu.memory_space<hbm>> -> memref<1x1x4096xf32, #tpu.memory_space<hbm>>
    %dma_start3A_48 = tpu.memref_squeeze %dma_start3A_47 : memref<1x1x4096xf32, #tpu.memory_space<hbm>> -> memref<4096xf32, #tpu.memory_space<hbm>>
    %dma_start3A_49 = arith.constant 0 : i32
    %dma_start3A_50 = tpu.memref_slice %arg6[%dma_start3A_49] : memref<8192xf32, #tpu.memory_space<vmem>> -> memref<4096xf32, #tpu.memory_space<vmem>>
    %dma_start3A_51 = arith.constant 0 : i32
    %dma_start3A_52 = tpu.memref_slice %arg2[%dma_start3A_43, %add3A, %dma_start3A_51] : memref<3x32x8192xf32, #tpu.memory_space<hbm>> -> memref<1x1x4096xf32, #tpu.memory_space<hbm>>
    %dma_start3A_53 = tpu.memref_squeeze %dma_start3A_52 : memref<1x1x4096xf32, #tpu.memory_space<hbm>> -> memref<4096xf32, #tpu.memory_space<hbm>>
    tpu.enqueue_dma source(%dma_start3A_53 : memref<4096xf32, #tpu.memory_space<hbm>>) target(%dma_start3A_50 : memref<4096xf32, #tpu.memory_space<vmem>>) target_semaphore(%arg25 : memref<!tpu.dma_semaphore, #tpu.memory_space<semaphore_mem>>)
    %dma_start3A_54 = arith.constant 2 : i32
    %dma_start3A_55 = arith.constant 0 : i32
    %dma_start3A_56 = tpu.memref_slice %arg7[%dma_start3A_55] : memref<8192xf32, #tpu.memory_space<vmem>> -> memref<4096xf32, #tpu.memory_space<vmem>>
    %dma_start3A_57 = arith.constant 0 : i32
    %dma_start3A_58 = tpu.memref_slice %arg2[%dma_start3A_54, %add3A, %dma_start3A_57] : memref<3x32x8192xf32, #tpu.memory_space<hbm>> -> memref<1x1x4096xf32, #tpu.memory_space<hbm>>
    %dma_start3A_59 = tpu.memref_squeeze %dma_start3A_58 : memref<1x1x4096xf32, #tpu.memory_space<hbm>> -> memref<4096xf32, #tpu.memory_space<hbm>>
    %dma_start3A_60 = arith.constant 0 : i32
    %dma_start3A_61 = tpu.memref_slice %arg7[%dma_start3A_60] : memref<8192xf32, #tpu.memory_space<vmem>> -> memref<4096xf32, #tpu.memory_space<vmem>>
    %dma_start3A_62 = arith.constant 0 : i32
    %dma_start3A_63 = tpu.memref_slice %arg2[%dma_start3A_54, %add3A, %dma_start3A_62] : memref<3x32x8192xf32, #tpu.memory_space<hbm>> -> memref<1x1x4096xf32, #tpu.memory_space<hbm>>
    %dma_start3A_64 = tpu.memref_squeeze %dma_start3A_63 : memref<1x1x4096xf32, #tpu.memory_space<hbm>> -> memref<4096xf32, #tpu.memory_space<hbm>>
    tpu.enqueue_dma source(%dma_start3A_64 : memref<4096xf32, #tpu.memory_space<hbm>>) target(%dma_start3A_61 : memref<4096xf32, #tpu.memory_space<vmem>>) target_semaphore(%arg25 : memref<!tpu.dma_semaphore, #tpu.memory_space<semaphore_mem>>)
    %dma_start3A_65 = arith.constant 0 : i32
    %dma_start3A_66 = arith.constant 4096 : i32
    %dma_start3A_67 = tpu.memref_slice %arg5[%dma_start3A_66] : memref<8192xf32, #tpu.memory_space<vmem>> -> memref<4096xf32, #tpu.memory_space<vmem>>
    %dma_start3A_68 = arith.constant 4096 : i32
    %dma_start3A_69 = tpu.memref_slice %arg2[%dma_start3A_65, %add3A, %dma_start3A_68] : memref<3x32x8192xf32, #tpu.memory_space<hbm>> -> memref<1x1x4096xf32, #tpu.memory_space<hbm>>
    %dma_start3A_70 = tpu.memref_squeeze %dma_start3A_69 : memref<1x1x4096xf32, #tpu.memory_space<hbm>> -> memref<4096xf32, #tpu.memory_space<hbm>>
    %dma_start3A_71 = arith.constant 4096 : i32
    %dma_start3A_72 = tpu.memref_slice %arg5[%dma_start3A_71] : memref<8192xf32, #tpu.memory_space<vmem>> -> memref<4096xf32, #tpu.memory_space<vmem>>
    %dma_start3A_73 = arith.constant 4096 : i32
    %dma_start3A_74 = tpu.memref_slice %arg2[%dma_start3A_65, %add3A, %dma_start3A_73] : memref<3x32x8192xf32, #tpu.memory_space<hbm>> -> memref<1x1x4096xf32, #tpu.memory_space<hbm>>
    %dma_start3A_75 = tpu.memref_squeeze %dma_start3A_74 : memref<1x1x4096xf32, #tpu.memory_space<hbm>> -> memref<4096xf32, #tpu.memory_space<hbm>>
    tpu.enqueue_dma source(%dma_start3A_75 : memref<4096xf32, #tpu.memory_space<hbm>>) target(%dma_start3A_72 : memref<4096xf32, #tpu.memory_space<vmem>>) target_semaphore(%arg25 : memref<!tpu.dma_semaphore, #tpu.memory_space<semaphore_mem>>)
    %dma_start3A_76 = arith.constant 1 : i32
    %dma_start3A_77 = arith.constant 4096 : i32
    %dma_start3A_78 = tpu.memref_slice %arg6[%dma_start3A_77] : memref<8192xf32, #tpu.memory_space<vmem>> -> memref<4096xf32, #tpu.memory_space<vmem>>
    %dma_start3A_79 = arith.constant 4096 : i32
    %dma_start3A_80 = tpu.memref_slice %arg2[%dma_start3A_76, %add3A, %dma_start3A_79] : memref<3x32x8192xf32, #tpu.memory_space<hbm>> -> memref<1x1x4096xf32, #tpu.memory_space<hbm>>
    %dma_start3A_81 = tpu.memref_squeeze %dma_start3A_80 : memref<1x1x4096xf32, #tpu.memory_space<hbm>> -> memref<4096xf32, #tpu.memory_space<hbm>>
    %dma_start3A_82 = arith.constant 4096 : i32
    %dma_start3A_83 = tpu.memref_slice %arg6[%dma_start3A_82] : memref<8192xf32, #tpu.memory_space<vmem>> -> memref<4096xf32, #tpu.memory_space<vmem>>
    %dma_start3A_84 = arith.constant 4096 : i32
    %dma_start3A_85 = tpu.memref_slice %arg2[%dma_start3A_76, %add3A, %dma_start3A_84] : memref<3x32x8192xf32, #tpu.memory_space<hbm>> -> memref<1x1x4096xf32, #tpu.memory_space<hbm>>
    %dma_start3A_86 = tpu.memref_squeeze %dma_start3A_85 : memref<1x1x4096xf32, #tpu.memory_space<hbm>> -> memref<4096xf32, #tpu.memory_space<hbm>>
    tpu.enqueue_dma source(%dma_start3A_86 : memref<4096xf32, #tpu.memory_space<hbm>>) target(%dma_start3A_83 : memref<4096xf32, #tpu.memory_space<vmem>>) target_semaphore(%arg25 : memref<!tpu.dma_semaphore, #tpu.memory_space<semaphore_mem>>)
    %dma_start3A_87 = arith.constant 2 : i32
    %dma_start3A_88 = arith.constant 4096 : i32
    %dma_start3A_89 = tpu.memref_slice %arg7[%dma_start3A_88] : memref<8192xf32, #tpu.memory_space<vmem>> -> memref<4096xf32, #tpu.memory_space<vmem>>
    %dma_start3A_90 = arith.constant 4096 : i32
    %dma_start3A_91 = tpu.memref_slice %arg2[%dma_start3A_87, %add3A, %dma_start3A_90] : memref<3x32x8192xf32, #tpu.memory_space<hbm>> -> memref<1x1x4096xf32, #tpu.memory_space<hbm>>
    %dma_start3A_92 = tpu.memref_squeeze %dma_start3A_91 : memref<1x1x4096xf32, #tpu.memory_space<hbm>> -> memref<4096xf32, #tpu.memory_space<hbm>>
    %dma_start3A_93 = arith.constant 4096 : i32
    %dma_start3A_94 = tpu.memref_slice %arg7[%dma_start3A_93] : memref<8192xf32, #tpu.memory_space<vmem>> -> memref<4096xf32, #tpu.memory_space<vmem>>
    %dma_start3A_95 = arith.constant 4096 : i32
    %dma_start3A_96 = tpu.memref_slice %arg2[%dma_start3A_87, %add3A, %dma_start3A_95] : memref<3x32x8192xf32, #tpu.memory_space<hbm>> -> memref<1x1x4096xf32, #tpu.memory_space<hbm>>
    %dma_start3A_97 = tpu.memref_squeeze %dma_start3A_96 : memref<1x1x4096xf32, #tpu.memory_space<hbm>> -> memref<4096xf32, #tpu.memory_space<hbm>>
    tpu.enqueue_dma source(%dma_start3A_97 : memref<4096xf32, #tpu.memory_space<hbm>>) target(%dma_start3A_94 : memref<4096xf32, #tpu.memory_space<vmem>>) target_semaphore(%arg25 : memref<!tpu.dma_semaphore, #tpu.memory_space<semaphore_mem>>)
    %add3A_98 = arith.constant 0 : i32
    %add3A_99 = arith.addi %add3A_98, %add3A : i32
    %dma_wait3A = arith.constant 0 : i32
    %dma_wait3A_100 = tpu.memref_slice %arg3[%add3A_99, %dma_wait3A] : memref<128x16xf32, #tpu.memory_space<hbm>> -> memref<1x16xf32, #tpu.memory_space<hbm>>
    %dma_wait3A_101 = tpu.memref_squeeze %dma_wait3A_100 : memref<1x16xf32, #tpu.memory_space<hbm>> -> memref<16xf32, #tpu.memory_space<hbm>>
    %dma_wait3A_102 = arith.constant 0 : i32
    %dma_wait3A_103 = tpu.memref_slice %arg3[%add3A_99, %dma_wait3A_102] : memref<128x16xf32, #tpu.memory_space<hbm>> -> memref<1x16xf32, #tpu.memory_space<hbm>>
    %dma_wait3A_104 = tpu.memref_squeeze %dma_wait3A_103 : memref<1x16xf32, #tpu.memory_space<hbm>> -> memref<16xf32, #tpu.memory_space<hbm>>
    tpu.wait_dma2 semaphore(%arg24 : memref<!tpu.dma_semaphore, #tpu.memory_space<semaphore_mem>>) src(%dma_wait3A_104 : memref<16xf32, #tpu.memory_space<hbm>>) dst(%arg20 : memref<16xf32, #tpu.memory_space<vmem>>)
    %add3A_105 = arith.constant 32 : i32
    %add3A_106 = arith.addi %add3A_105, %add3A : i32
    %dma_wait3A_107 = arith.constant 0 : i32
    %dma_wait3A_108 = tpu.memref_slice %arg3[%add3A_106, %dma_wait3A_107] : memref<128x16xf32, #tpu.memory_space<hbm>> -> memref<1x16xf32, #tpu.memory_space<hbm>>
    %dma_wait3A_109 = tpu.memref_squeeze %dma_wait3A_108 : memref<1x16xf32, #tpu.memory_space<hbm>> -> memref<16xf32, #tpu.memory_space<hbm>>
    %dma_wait3A_110 = arith.constant 0 : i32
    %dma_wait3A_111 = tpu.memref_slice %arg3[%add3A_106, %dma_wait3A_110] : memref<128x16xf32, #tpu.memory_space<hbm>> -> memref<1x16xf32, #tpu.memory_space<hbm>>
    %dma_wait3A_112 = tpu.memref_squeeze %dma_wait3A_111 : memref<1x16xf32, #tpu.memory_space<hbm>> -> memref<16xf32, #tpu.memory_space<hbm>>
    tpu.wait_dma2 semaphore(%arg24 : memref<!tpu.dma_semaphore, #tpu.memory_space<semaphore_mem>>) src(%dma_wait3A_112 : memref<16xf32, #tpu.memory_space<hbm>>) dst(%arg21 : memref<16xf32, #tpu.memory_space<vmem>>)
    %add3A_113 = arith.constant 64 : i32
    %add3A_114 = arith.addi %add3A_113, %add3A : i32
    %dma_wait3A_115 = arith.constant 0 : i32
    %dma_wait3A_116 = tpu.memref_slice %arg3[%add3A_114, %dma_wait3A_115] : memref<128x16xf32, #tpu.memory_space<hbm>> -> memref<1x16xf32, #tpu.memory_space<hbm>>
    %dma_wait3A_117 = tpu.memref_squeeze %dma_wait3A_116 : memref<1x16xf32, #tpu.memory_space<hbm>> -> memref<16xf32, #tpu.memory_space<hbm>>
    %dma_wait3A_118 = arith.constant 0 : i32
    %dma_wait3A_119 = tpu.memref_slice %arg3[%add3A_114, %dma_wait3A_118] : memref<128x16xf32, #tpu.memory_space<hbm>> -> memref<1x16xf32, #tpu.memory_space<hbm>>
    %dma_wait3A_120 = tpu.memref_squeeze %dma_wait3A_119 : memref<1x16xf32, #tpu.memory_space<hbm>> -> memref<16xf32, #tpu.memory_space<hbm>>
    tpu.wait_dma2 semaphore(%arg24 : memref<!tpu.dma_semaphore, #tpu.memory_space<semaphore_mem>>) src(%dma_wait3A_120 : memref<16xf32, #tpu.memory_space<hbm>>) dst(%arg22 : memref<16xf32, #tpu.memory_space<vmem>>)
    %add3A_121 = arith.constant 96 : i32
    %add3A_122 = arith.addi %add3A_121, %add3A : i32
    %dma_wait3A_123 = arith.constant 0 : i32
    %dma_wait3A_124 = tpu.memref_slice %arg3[%add3A_122, %dma_wait3A_123] : memref<128x16xf32, #tpu.memory_space<hbm>> -> memref<1x16xf32, #tpu.memory_space<hbm>>
    %dma_wait3A_125 = tpu.memref_squeeze %dma_wait3A_124 : memref<1x16xf32, #tpu.memory_space<hbm>> -> memref<16xf32, #tpu.memory_space<hbm>>
    %dma_wait3A_126 = arith.constant 0 : i32
    %dma_wait3A_127 = tpu.memref_slice %arg3[%add3A_122, %dma_wait3A_126] : memref<128x16xf32, #tpu.memory_space<hbm>> -> memref<1x16xf32, #tpu.memory_space<hbm>>
    %dma_wait3A_128 = tpu.memref_squeeze %dma_wait3A_127 : memref<1x16xf32, #tpu.memory_space<hbm>> -> memref<16xf32, #tpu.memory_space<hbm>>
    tpu.wait_dma2 semaphore(%arg24 : memref<!tpu.dma_semaphore, #tpu.memory_space<semaphore_mem>>) src(%dma_wait3A_128 : memref<16xf32, #tpu.memory_space<hbm>>) dst(%arg23 : memref<16xf32, #tpu.memory_space<vmem>>)
    %get3A = arith.constant 0 : index
    %get3A_129 = tpu.vector_load %arg20[%get3A] {strides = array<i32>} : memref<16xf32, #tpu.memory_space<vmem>>, vector<16xf32>,
    %get3A_130 = arith.constant 0 : index
    %get3A_131 = tpu.vector_load %arg21[%get3A_130] {strides = array<i32>} : memref<16xf32, #tpu.memory_space<vmem>>, vector<16xf32>,
    %get3A_132 = arith.constant 0 : index
    %get3A_133 = tpu.vector_load %arg22[%get3A_132] {strides = array<i32>} : memref<16xf32, #tpu.memory_space<vmem>>, vector<16xf32>,
    %get3A_134 = arith.constant 0 : index
    %get3A_135 = tpu.vector_load %arg23[%get3A_134] {strides = array<i32>} : memref<16xf32, #tpu.memory_space<vmem>>, vector<16xf32>,
    %slice3A = vector.extract_strided_slice %get3A_129 {offsets = [0], sizes = [1], strides = [1]} : vector<16xf32> to vector<1xf32>
    %squeeze3A = vector.extract %slice3A[0] : f32 from vector<1xf32>
    %slice3A_136 = vector.extract_strided_slice %get3A_129 {offsets = [1], sizes = [1], strides = [1]} : vector<16xf32> to vector<1xf32>
    %squeeze3A_137 = vector.extract %slice3A_136[0] : f32 from vector<1xf32>
    %slice3A_138 = vector.extract_strided_slice %get3A_129 {offsets = [2], sizes = [1], strides = [1]} : vector<16xf32> to vector<1xf32>
    %squeeze3A_139 = vector.extract %slice3A_138[0] : f32 from vector<1xf32>
    %slice3A_140 = vector.extract_strided_slice %get3A_129 {offsets = [4], sizes = [1], strides = [1]} : vector<16xf32> to vector<1xf32>
    %squeeze3A_141 = vector.extract %slice3A_140[0] : f32 from vector<1xf32>
    %slice3A_142 = vector.extract_strided_slice %get3A_129 {offsets = [5], sizes = [1], strides = [1]} : vector<16xf32> to vector<1xf32>
    %squeeze3A_143 = vector.extract %slice3A_142[0] : f32 from vector<1xf32>
    %slice3A_144 = vector.extract_strided_slice %get3A_129 {offsets = [6], sizes = [1], strides = [1]} : vector<16xf32> to vector<1xf32>
    %squeeze3A_145 = vector.extract %slice3A_144[0] : f32 from vector<1xf32>
    %slice3A_146 = vector.extract_strided_slice %get3A_129 {offsets = [8], sizes = [1], strides = [1]} : vector<16xf32> to vector<1xf32>
    %squeeze3A_147 = vector.extract %slice3A_146[0] : f32 from vector<1xf32>
    %slice3A_148 = vector.extract_strided_slice %get3A_129 {offsets = [9], sizes = [1], strides = [1]} : vector<16xf32> to vector<1xf32>
    %squeeze3A_149 = vector.extract %slice3A_148[0] : f32 from vector<1xf32>
    %slice3A_150 = vector.extract_strided_slice %get3A_129 {offsets = [10], sizes = [1], strides = [1]} : vector<16xf32> to vector<1xf32>
    %squeeze3A_151 = vector.extract %slice3A_150[0] : f32 from vector<1xf32>
    %slice3A_152 = vector.extract_strided_slice %get3A_129 {offsets = [3], sizes = [1], strides = [1]} : vector<16xf32> to vector<1xf32>
    %squeeze3A_153 = vector.extract %slice3A_152[0] : f32 from vector<1xf32>
    %slice3A_154 = vector.extract_strided_slice %get3A_129 {offsets = [7], sizes = [1], strides = [1]} : vector<16xf32> to vector<1xf32>
    %squeeze3A_155 = vector.extract %slice3A_154[0] : f32 from vector<1xf32>
    %slice3A_156 = vector.extract_strided_slice %get3A_129 {offsets = [11], sizes = [1], strides = [1]} : vector<16xf32> to vector<1xf32>
    %squeeze3A_157 = vector.extract %slice3A_156[0] : f32 from vector<1xf32>
    %slice3A_158 = vector.extract_strided_slice %get3A_131 {offsets = [0], sizes = [1], strides = [1]} : vector<16xf32> to vector<1xf32>
    %squeeze3A_159 = vector.extract %slice3A_158[0] : f32 from vector<1xf32>
    %slice3A_160 = vector.extract_strided_slice %get3A_131 {offsets = [1], sizes = [1], strides = [1]} : vector<16xf32> to vector<1xf32>
    %squeeze3A_161 = vector.extract %slice3A_160[0] : f32 from vector<1xf32>
    %slice3A_162 = vector.extract_strided_slice %get3A_131 {offsets = [2], sizes = [1], strides = [1]} : vector<16xf32> to vector<1xf32>
    %squeeze3A_163 = vector.extract %slice3A_162[0] : f32 from vector<1xf32>
    %slice3A_164 = vector.extract_strided_slice %get3A_131 {offsets = [4], sizes = [1], strides = [1]} : vector<16xf32> to vector<1xf32>
    %squeeze3A_165 = vector.extract %slice3A_164[0] : f32 from vector<1xf32>
    %slice3A_166 = vector.extract_strided_slice %get3A_131 {offsets = [5], sizes = [1], strides = [1]} : vector<16xf32> to vector<1xf32>
    %squeeze3A_167 = vector.extract %slice3A_166[0] : f32 from vector<1xf32>
    %slice3A_168 = vector.extract_strided_slice %get3A_131 {offsets = [6], sizes = [1], strides = [1]} : vector<16xf32> to vector<1xf32>
    %squeeze3A_169 = vector.extract %slice3A_168[0] : f32 from vector<1xf32>
    %slice3A_170 = vector.extract_strided_slice %get3A_131 {offsets = [8], sizes = [1], strides = [1]} : vector<16xf32> to vector<1xf32>
    %squeeze3A_171 = vector.extract %slice3A_170[0] : f32 from vector<1xf32>
    %slice3A_172 = vector.extract_strided_slice %get3A_131 {offsets = [9], sizes = [1], strides = [1]} : vector<16xf32> to vector<1xf32>
    %squeeze3A_173 = vector.extract %slice3A_172[0] : f32 from vector<1xf32>
    %slice3A_174 = vector.extract_strided_slice %get3A_131 {offsets = [10], sizes = [1], strides = [1]} : vector<16xf32> to vector<1xf32>
    %squeeze3A_175 = vector.extract %slice3A_174[0] : f32 from vector<1xf32>
    %slice3A_176 = vector.extract_strided_slice %get3A_131 {offsets = [3], sizes = [1], strides = [1]} : vector<16xf32> to vector<1xf32>
    %squeeze3A_177 = vector.extract %slice3A_176[0] : f32 from vector<1xf32>
    %slice3A_178 = vector.extract_strided_slice %get3A_131 {offsets = [7], sizes = [1], strides = [1]} : vector<16xf32> to vector<1xf32>
    %squeeze3A_179 = vector.extract %slice3A_178[0] : f32 from vector<1xf32>
    %slice3A_180 = vector.extract_strided_slice %get3A_131 {offsets = [11], sizes = [1], strides = [1]} : vector<16xf32> to vector<1xf32>
    %squeeze3A_181 = vector.extract %slice3A_180[0] : f32 from vector<1xf32>
    %slice3A_182 = vector.extract_strided_slice %get3A_133 {offsets = [0], sizes = [1], strides = [1]} : vector<16xf32> to vector<1xf32>
    %squeeze3A_183 = vector.extract %slice3A_182[0] : f32 from vector<1xf32>
    %slice3A_184 = vector.extract_strided_slice %get3A_133 {offsets = [1], sizes = [1], strides = [1]} : vector<16xf32> to vector<1xf32>
    %squeeze3A_185 = vector.extract %slice3A_184[0] : f32 from vector<1xf32>
    %slice3A_186 = vector.extract_strided_slice %get3A_133 {offsets = [2], sizes = [1], strides = [1]} : vector<16xf32> to vector<1xf32>
    %squeeze3A_187 = vector.extract %slice3A_186[0] : f32 from vector<1xf32>
    %slice3A_188 = vector.extract_strided_slice %get3A_133 {offsets = [4], sizes = [1], strides = [1]} : vector<16xf32> to vector<1xf32>
    %squeeze3A_189 = vector.extract %slice3A_188[0] : f32 from vector<1xf32>
    %slice3A_190 = vector.extract_strided_slice %get3A_133 {offsets = [5], sizes = [1], strides = [1]} : vector<16xf32> to vector<1xf32>
    %squeeze3A_191 = vector.extract %slice3A_190[0] : f32 from vector<1xf32>
    %slice3A_192 = vector.extract_strided_slice %get3A_133 {offsets = [6], sizes = [1], strides = [1]} : vector<16xf32> to vector<1xf32>
    %squeeze3A_193 = vector.extract %slice3A_192[0] : f32 from vector<1xf32>
    %slice3A_194 = vector.extract_strided_slice %get3A_133 {offsets = [8], sizes = [1], strides = [1]} : vector<16xf32> to vector<1xf32>
    %squeeze3A_195 = vector.extract %slice3A_194[0] : f32 from vector<1xf32>
    %slice3A_196 = vector.extract_strided_slice %get3A_133 {offsets = [9], sizes = [1], strides = [1]} : vector<16xf32> to vector<1xf32>
    %squeeze3A_197 = vector.extract %slice3A_196[0] : f32 from vector<1xf32>
    %slice3A_198 = vector.extract_strided_slice %get3A_133 {offsets = [10], sizes = [1], strides = [1]} : vector<16xf32> to vector<1xf32>
    %squeeze3A_199 = vector.extract %slice3A_198[0] : f32 from vector<1xf32>
    %slice3A_200 = vector.extract_strided_slice %get3A_133 {offsets = [3], sizes = [1], strides = [1]} : vector<16xf32> to vector<1xf32>
    %squeeze3A_201 = vector.extract %slice3A_200[0] : f32 from vector<1xf32>
    %slice3A_202 = vector.extract_strided_slice %get3A_133 {offsets = [7], sizes = [1], strides = [1]} : vector<16xf32> to vector<1xf32>
    %squeeze3A_203 = vector.extract %slice3A_202[0] : f32 from vector<1xf32>
    %slice3A_204 = vector.extract_strided_slice %get3A_133 {offsets = [11], sizes = [1], strides = [1]} : vector<16xf32> to vector<1xf32>
    %squeeze3A_205 = vector.extract %slice3A_204[0] : f32 from vector<1xf32>
    %slice3A_206 = vector.extract_strided_slice %get3A_135 {offsets = [0], sizes = [1], strides = [1]} : vector<16xf32> to vector<1xf32>
    %squeeze3A_207 = vector.extract %slice3A_206[0] : f32 from vector<1xf32>
    %slice3A_208 = vector.extract_strided_slice %get3A_135 {offsets = [1], sizes = [1], strides = [1]} : vector<16xf32> to vector<1xf32>
    %squeeze3A_209 = vector.extract %slice3A_208[0] : f32 from vector<1xf32>
    %slice3A_210 = vector.extract_strided_slice %get3A_135 {offsets = [2], sizes = [1], strides = [1]} : vector<16xf32> to vector<1xf32>
    %squeeze3A_211 = vector.extract %slice3A_210[0] : f32 from vector<1xf32>
    %slice3A_212 = vector.extract_strided_slice %get3A_135 {offsets = [4], sizes = [1], strides = [1]} : vector<16xf32> to vector<1xf32>
    %squeeze3A_213 = vector.extract %slice3A_212[0] : f32 from vector<1xf32>
    %slice3A_214 = vector.extract_strided_slice %get3A_135 {offsets = [5], sizes = [1], strides = [1]} : vector<16xf32> to vector<1xf32>
    %squeeze3A_215 = vector.extract %slice3A_214[0] : f32 from vector<1xf32>
    %slice3A_216 = vector.extract_strided_slice %get3A_135 {offsets = [6], sizes = [1], strides = [1]} : vector<16xf32> to vector<1xf32>
    %squeeze3A_217 = vector.extract %slice3A_216[0] : f32 from vector<1xf32>
    %slice3A_218 = vector.extract_strided_slice %get3A_135 {offsets = [8], sizes = [1], strides = [1]} : vector<16xf32> to vector<1xf32>
    %squeeze3A_219 = vector.extract %slice3A_218[0] : f32 from vector<1xf32>
    %slice3A_220 = vector.extract_strided_slice %get3A_135 {offsets = [9], sizes = [1], strides = [1]} : vector<16xf32> to vector<1xf32>
    %squeeze3A_221 = vector.extract %slice3A_220[0] : f32 from vector<1xf32>
    %slice3A_222 = vector.extract_strided_slice %get3A_135 {offsets = [10], sizes = [1], strides = [1]} : vector<16xf32> to vector<1xf32>
    %squeeze3A_223 = vector.extract %slice3A_222[0] : f32 from vector<1xf32>
    %slice3A_224 = vector.extract_strided_slice %get3A_135 {offsets = [3], sizes = [1], strides = [1]} : vector<16xf32> to vector<1xf32>
    %squeeze3A_225 = vector.extract %slice3A_224[0] : f32 from vector<1xf32>
    %slice3A_226 = vector.extract_strided_slice %get3A_135 {offsets = [7], sizes = [1], strides = [1]} : vector<16xf32> to vector<1xf32>
    %squeeze3A_227 = vector.extract %slice3A_226[0] : f32 from vector<1xf32>
    %slice3A_228 = vector.extract_strided_slice %get3A_135 {offsets = [11], sizes = [1], strides = [1]} : vector<16xf32> to vector<1xf32>
    %squeeze3A_229 = vector.extract %slice3A_228[0] : f32 from vector<1xf32>
    %dma_wait3A_230 = arith.constant 0 : i32
    %dma_wait3A_231 = arith.constant 0 : i32
    %dma_wait3A_232 = tpu.memref_slice %arg5[%dma_wait3A_231] : memref<8192xf32, #tpu.memory_space<vmem>> -> memref<4096xf32, #tpu.memory_space<vmem>>
    %dma_wait3A_233 = arith.constant 0 : i32
    %dma_wait3A_234 = tpu.memref_slice %arg2[%dma_wait3A_230, %add3A, %dma_wait3A_233] : memref<3x32x8192xf32, #tpu.memory_space<hbm>> -> memref<1x1x4096xf32, #tpu.memory_space<hbm>>
    %dma_wait3A_235 = tpu.memref_squeeze %dma_wait3A_234 : memref<1x1x4096xf32, #tpu.memory_space<hbm>> -> memref<4096xf32, #tpu.memory_space<hbm>>
    %dma_wait3A_236 = arith.constant 0 : i32
    %dma_wait3A_237 = tpu.memref_slice %arg5[%dma_wait3A_236] : memref<8192xf32, #tpu.memory_space<vmem>> -> memref<4096xf32, #tpu.memory_space<vmem>>
    %dma_wait3A_238 = arith.constant 0 : i32
    %dma_wait3A_239 = tpu.memref_slice %arg2[%dma_wait3A_230, %add3A, %dma_wait3A_238] : memref<3x32x8192xf32, #tpu.memory_space<hbm>> -> memref<1x1x4096xf32, #tpu.memory_space<hbm>>
    %dma_wait3A_240 = tpu.memref_squeeze %dma_wait3A_239 : memref<1x1x4096xf32, #tpu.memory_space<hbm>> -> memref<4096xf32, #tpu.memory_space<hbm>>
    tpu.wait_dma2 semaphore(%arg25 : memref<!tpu.dma_semaphore, #tpu.memory_space<semaphore_mem>>) src(%dma_wait3A_240 : memref<4096xf32, #tpu.memory_space<hbm>>) dst(%dma_wait3A_237 : memref<4096xf32, #tpu.memory_space<vmem>>)
    %dma_wait3A_241 = arith.constant 1 : i32
    %dma_wait3A_242 = arith.constant 0 : i32
    %dma_wait3A_243 = tpu.memref_slice %arg6[%dma_wait3A_242] : memref<8192xf32, #tpu.memory_space<vmem>> -> memref<4096xf32, #tpu.memory_space<vmem>>
    %dma_wait3A_244 = arith.constant 0 : i32
    %dma_wait3A_245 = tpu.memref_slice %arg2[%dma_wait3A_241, %add3A, %dma_wait3A_244] : memref<3x32x8192xf32, #tpu.memory_space<hbm>> -> memref<1x1x4096xf32, #tpu.memory_space<hbm>>
    %dma_wait3A_246 = tpu.memref_squeeze %dma_wait3A_245 : memref<1x1x4096xf32, #tpu.memory_space<hbm>> -> memref<4096xf32, #tpu.memory_space<hbm>>
    %dma_wait3A_247 = arith.constant 0 : i32
    %dma_wait3A_248 = tpu.memref_slice %arg6[%dma_wait3A_247] : memref<8192xf32, #tpu.memory_space<vmem>> -> memref<4096xf32, #tpu.memory_space<vmem>>
    %dma_wait3A_249 = arith.constant 0 : i32
    %dma_wait3A_250 = tpu.memref_slice %arg2[%dma_wait3A_241, %add3A, %dma_wait3A_249] : memref<3x32x8192xf32, #tpu.memory_space<hbm>> -> memref<1x1x4096xf32, #tpu.memory_space<hbm>>
    %dma_wait3A_251 = tpu.memref_squeeze %dma_wait3A_250 : memref<1x1x4096xf32, #tpu.memory_space<hbm>> -> memref<4096xf32, #tpu.memory_space<hbm>>
    tpu.wait_dma2 semaphore(%arg25 : memref<!tpu.dma_semaphore, #tpu.memory_space<semaphore_mem>>) src(%dma_wait3A_251 : memref<4096xf32, #tpu.memory_space<hbm>>) dst(%dma_wait3A_248 : memref<4096xf32, #tpu.memory_space<vmem>>)
    %dma_wait3A_252 = arith.constant 2 : i32
    %dma_wait3A_253 = arith.constant 0 : i32
    %dma_wait3A_254 = tpu.memref_slice %arg7[%dma_wait3A_253] : memref<8192xf32, #tpu.memory_space<vmem>> -> memref<4096xf32, #tpu.memory_space<vmem>>
    %dma_wait3A_255 = arith.constant 0 : i32
    %dma_wait3A_256 = tpu.memref_slice %arg2[%dma_wait3A_252, %add3A, %dma_wait3A_255] : memref<3x32x8192xf32, #tpu.memory_space<hbm>> -> memref<1x1x4096xf32, #tpu.memory_space<hbm>>
    %dma_wait3A_257 = tpu.memref_squeeze %dma_wait3A_256 : memref<1x1x4096xf32, #tpu.memory_space<hbm>> -> memref<4096xf32, #tpu.memory_space<hbm>>
    %dma_wait3A_258 = arith.constant 0 : i32
    %dma_wait3A_259 = tpu.memref_slice %arg7[%dma_wait3A_258] : memref<8192xf32, #tpu.memory_space<vmem>> -> memref<4096xf32, #tpu.memory_space<vmem>>
    %dma_wait3A_260 = arith.constant 0 : i32
    %dma_wait3A_261 = tpu.memref_slice %arg2[%dma_wait3A_252, %add3A, %dma_wait3A_260] : memref<3x32x8192xf32, #tpu.memory_space<hbm>> -> memref<1x1x4096xf32, #tpu.memory_space<hbm>>
    %dma_wait3A_262 = tpu.memref_squeeze %dma_wait3A_261 : memref<1x1x4096xf32, #tpu.memory_space<hbm>> -> memref<4096xf32, #tpu.memory_space<hbm>>
    tpu.wait_dma2 semaphore(%arg25 : memref<!tpu.dma_semaphore, #tpu.memory_space<semaphore_mem>>) src(%dma_wait3A_262 : memref<4096xf32, #tpu.memory_space<hbm>>) dst(%dma_wait3A_259 : memref<4096xf32, #tpu.memory_space<vmem>>)
    %scan3A = arith.constant 0 : i32
    %scan3A_263 = arith.constant 0 : i32
    %scan3A_264 = arith.constant 4 : i32
    %scan3A_265 = arith.addi %scan3A_263, %scan3A_264 : i32
    %scan3A_266 = arith.constant 1 : i32
    scf.for %scan3A_274 = %scan3A_263 to %scan3A_265 step %scan3A_266  : i32 {
      %eq3A = arith.constant 2 : i32
      %eq3A_275 = arith.cmpi eq, %scan3A_274, %eq3A : i32
      %convert_element_type3A = arith.extui %eq3A_275 : i1 to i32
      %cond3A = arith.constant 0 : i32
      %cond3A_276 = arith.cmpi ne, %convert_element_type3A, %cond3A : i32
      scf.if %cond3A_276 {
        %dma_wait3A_437 = arith.constant 0 : i32
        %dma_wait3A_438 = arith.constant 4096 : i32
        %dma_wait3A_439 = tpu.memref_slice %arg5[%dma_wait3A_438] : memref<8192xf32, #tpu.memory_space<vmem>> -> memref<4096xf32, #tpu.memory_space<vmem>>
        %dma_wait3A_440 = arith.constant 4096 : i32
        %dma_wait3A_441 = tpu.memref_slice %arg2[%dma_wait3A_437, %add3A, %dma_wait3A_440] : memref<3x32x8192xf32, #tpu.memory_space<hbm>> -> memref<1x1x4096xf32, #tpu.memory_space<hbm>>
        %dma_wait3A_442 = tpu.memref_squeeze %dma_wait3A_441 : memref<1x1x4096xf32, #tpu.memory_space<hbm>> -> memref<4096xf32, #tpu.memory_space<hbm>>
        %dma_wait3A_443 = arith.constant 4096 : i32
        %dma_wait3A_444 = tpu.memref_slice %arg5[%dma_wait3A_443] : memref<8192xf32, #tpu.memory_space<vmem>> -> memref<4096xf32, #tpu.memory_space<vmem>>
        %dma_wait3A_445 = arith.constant 4096 : i32
        %dma_wait3A_446 = tpu.memref_slice %arg2[%dma_wait3A_437, %add3A, %dma_wait3A_445] : memref<3x32x8192xf32, #tpu.memory_space<hbm>> -> memref<1x1x4096xf32, #tpu.memory_space<hbm>>
        %dma_wait3A_447 = tpu.memref_squeeze %dma_wait3A_446 : memref<1x1x4096xf32, #tpu.memory_space<hbm>> -> memref<4096xf32, #tpu.memory_space<hbm>>
        tpu.wait_dma2 semaphore(%arg25 : memref<!tpu.dma_semaphore, #tpu.memory_space<semaphore_mem>>) src(%dma_wait3A_447 : memref<4096xf32, #tpu.memory_space<hbm>>) dst(%dma_wait3A_444 : memref<4096xf32, #tpu.memory_space<vmem>>)
        %dma_wait3A_448 = arith.constant 1 : i32
        %dma_wait3A_449 = arith.constant 4096 : i32
        %dma_wait3A_450 = tpu.memref_slice %arg6[%dma_wait3A_449] : memref<8192xf32, #tpu.memory_space<vmem>> -> memref<4096xf32, #tpu.memory_space<vmem>>
        %dma_wait3A_451 = arith.constant 4096 : i32
        %dma_wait3A_452 = tpu.memref_slice %arg2[%dma_wait3A_448, %add3A, %dma_wait3A_451] : memref<3x32x8192xf32, #tpu.memory_space<hbm>> -> memref<1x1x4096xf32, #tpu.memory_space<hbm>>
        %dma_wait3A_453 = tpu.memref_squeeze %dma_wait3A_452 : memref<1x1x4096xf32, #tpu.memory_space<hbm>> -> memref<4096xf32, #tpu.memory_space<hbm>>
        %dma_wait3A_454 = arith.constant 4096 : i32
        %dma_wait3A_455 = tpu.memref_slice %arg6[%dma_wait3A_454] : memref<8192xf32, #tpu.memory_space<vmem>> -> memref<4096xf32, #tpu.memory_space<vmem>>
        %dma_wait3A_456 = arith.constant 4096 : i32
        %dma_wait3A_457 = tpu.memref_slice %arg2[%dma_wait3A_448, %add3A, %dma_wait3A_456] : memref<3x32x8192xf32, #tpu.memory_space<hbm>> -> memref<1x1x4096xf32, #tpu.memory_space<hbm>>
        %dma_wait3A_458 = tpu.memref_squeeze %dma_wait3A_457 : memref<1x1x4096xf32, #tpu.memory_space<hbm>> -> memref<4096xf32, #tpu.memory_space<hbm>>
        tpu.wait_dma2 semaphore(%arg25 : memref<!tpu.dma_semaphore, #tpu.memory_space<semaphore_mem>>) src(%dma_wait3A_458 : memref<4096xf32, #tpu.memory_space<hbm>>) dst(%dma_wait3A_455 : memref<4096xf32, #tpu.memory_space<vmem>>)
        %dma_wait3A_459 = arith.constant 2 : i32
        %dma_wait3A_460 = arith.constant 4096 : i32
        %dma_wait3A_461 = tpu.memref_slice %arg7[%dma_wait3A_460] : memref<8192xf32, #tpu.memory_space<vmem>> -> memref<4096xf32, #tpu.memory_space<vmem>>
        %dma_wait3A_462 = arith.constant 4096 : i32
        %dma_wait3A_463 = tpu.memref_slice %arg2[%dma_wait3A_459, %add3A, %dma_wait3A_462] : memref<3x32x8192xf32, #tpu.memory_space<hbm>> -> memref<1x1x4096xf32, #tpu.memory_space<hbm>>
        %dma_wait3A_464 = tpu.memref_squeeze %dma_wait3A_463 : memref<1x1x4096xf32, #tpu.memory_space<hbm>> -> memref<4096xf32, #tpu.memory_space<hbm>>
        %dma_wait3A_465 = arith.constant 4096 : i32
        %dma_wait3A_466 = tpu.memref_slice %arg7[%dma_wait3A_465] : memref<8192xf32, #tpu.memory_space<vmem>> -> memref<4096xf32, #tpu.memory_space<vmem>>
        %dma_wait3A_467 = arith.constant 4096 : i32
        %dma_wait3A_468 = tpu.memref_slice %arg2[%dma_wait3A_459, %add3A, %dma_wait3A_467] : memref<3x32x8192xf32, #tpu.memory_space<hbm>> -> memref<1x1x4096xf32, #tpu.memory_space<hbm>>
        %dma_wait3A_469 = tpu.memref_squeeze %dma_wait3A_468 : memref<1x1x4096xf32, #tpu.memory_space<hbm>> -> memref<4096xf32, #tpu.memory_space<hbm>>
        tpu.wait_dma2 semaphore(%arg25 : memref<!tpu.dma_semaphore, #tpu.memory_space<semaphore_mem>>) src(%dma_wait3A_469 : memref<4096xf32, #tpu.memory_space<hbm>>) dst(%dma_wait3A_466 : memref<4096xf32, #tpu.memory_space<vmem>>)
      } else {
      }
      %mul3A_277 = arith.constant 2048 : i32
      %mul3A_278 = arith.muli %scan3A_274, %mul3A_277 : i32
      %parallel_loop3A = arith.constant 0 : i32
      %parallel_loop3A_279 = arith.constant 128 : i32
      %parallel_loop3A_280 = arith.constant 1 : i32
      scf.for %parallel_loop3A_437 = %parallel_loop3A to %parallel_loop3A_279 step %parallel_loop3A_280  : i32 {
        %parallel_loop3A_438 = arith.constant 16 : i32
        %parallel_loop3A_439 = arith.muli %parallel_loop3A_437, %parallel_loop3A_438 : i32
        %parallel_loop3A_440 = arith.addi %mul3A_278, %parallel_loop3A_439 : i32
        %parallel_loop3A_441 = arith.index_cast %parallel_loop3A_440 : i32 to index
        %parallel_loop3A_442 = tpu.vector_load %arg5[%parallel_loop3A_441] {strides = array<i32>} : memref<8192xf32, #tpu.memory_space<vmem>>, vector<16xf32>,
        %parallel_loop3A_443 = arith.index_cast %parallel_loop3A_440 : i32 to index
        %parallel_loop3A_444 = tpu.vector_load %arg6[%parallel_loop3A_443] {strides = array<i32>} : memref<8192xf32, #tpu.memory_space<vmem>>, vector<16xf32>,
        %parallel_loop3A_445 = arith.index_cast %parallel_loop3A_440 : i32 to index
        %parallel_loop3A_446 = tpu.vector_load %arg7[%parallel_loop3A_445] {strides = array<i32>} : memref<8192xf32, #tpu.memory_space<vmem>>, vector<16xf32>,
        %parallel_loop3A_447 = vector.broadcast %squeeze3A : f32 to vector<16xf32>
        %parallel_loop3A_448 = arith.mulf %parallel_loop3A_442, %parallel_loop3A_447 : vector<16xf32>
        %parallel_loop3A_449 = vector.broadcast %squeeze3A_137 : f32 to vector<16xf32>
        %parallel_loop3A_450 = arith.mulf %parallel_loop3A_444, %parallel_loop3A_449 : vector<16xf32>
        %parallel_loop3A_451 = arith.addf %parallel_loop3A_448, %parallel_loop3A_450 : vector<16xf32>
        %parallel_loop3A_452 = vector.broadcast %squeeze3A_139 : f32 to vector<16xf32>
        %parallel_loop3A_453 = arith.mulf %parallel_loop3A_446, %parallel_loop3A_452 : vector<16xf32>
        %parallel_loop3A_454 = arith.addf %parallel_loop3A_451, %parallel_loop3A_453 : vector<16xf32>
        %parallel_loop3A_455 = vector.broadcast %squeeze3A_153 : f32 to vector<16xf32>
        %parallel_loop3A_456 = arith.addf %parallel_loop3A_454, %parallel_loop3A_455 : vector<16xf32>
        %parallel_loop3A_457 = arith.index_cast %parallel_loop3A_440 : i32 to index
        %parallel_loop3A_458 = tpu.vector_load %arg8[%parallel_loop3A_457] {strides = array<i32>} : memref<8192xf32, #tpu.memory_space<vmem>>, vector<16xf32>,
        tpu.vector_store %arg8[%parallel_loop3A_457], %parallel_loop3A_456 {strides = array<i32>} : memref<8192xf32, #tpu.memory_space<vmem>>, vector<16xf32>,
        %parallel_loop3A_459 = vector.broadcast %squeeze3A_141 : f32 to vector<16xf32>
        %parallel_loop3A_460 = arith.mulf %parallel_loop3A_442, %parallel_loop3A_459 : vector<16xf32>
        %parallel_loop3A_461 = vector.broadcast %squeeze3A_143 : f32 to vector<16xf32>
        %parallel_loop3A_462 = arith.mulf %parallel_loop3A_444, %parallel_loop3A_461 : vector<16xf32>
        %parallel_loop3A_463 = arith.addf %parallel_loop3A_460, %parallel_loop3A_462 : vector<16xf32>
        %parallel_loop3A_464 = vector.broadcast %squeeze3A_145 : f32 to vector<16xf32>
        %parallel_loop3A_465 = arith.mulf %parallel_loop3A_446, %parallel_loop3A_464 : vector<16xf32>
        %parallel_loop3A_466 = arith.addf %parallel_loop3A_463, %parallel_loop3A_465 : vector<16xf32>
        %parallel_loop3A_467 = vector.broadcast %squeeze3A_155 : f32 to vector<16xf32>
        %parallel_loop3A_468 = arith.addf %parallel_loop3A_466, %parallel_loop3A_467 : vector<16xf32>
        %parallel_loop3A_469 = arith.index_cast %parallel_loop3A_440 : i32 to index
        %parallel_loop3A_470 = tpu.vector_load %arg9[%parallel_loop3A_469] {strides = array<i32>} : memref<8192xf32, #tpu.memory_space<vmem>>, vector<16xf32>,
        tpu.vector_store %arg9[%parallel_loop3A_469], %parallel_loop3A_468 {strides = array<i32>} : memref<8192xf32, #tpu.memory_space<vmem>>, vector<16xf32>,
        %parallel_loop3A_471 = vector.broadcast %squeeze3A_147 : f32 to vector<16xf32>
        %parallel_loop3A_472 = arith.mulf %parallel_loop3A_442, %parallel_loop3A_471 : vector<16xf32>
        %parallel_loop3A_473 = vector.broadcast %squeeze3A_149 : f32 to vector<16xf32>
        %parallel_loop3A_474 = arith.mulf %parallel_loop3A_444, %parallel_loop3A_473 : vector<16xf32>
        %parallel_loop3A_475 = arith.addf %parallel_loop3A_472, %parallel_loop3A_474 : vector<16xf32>
        %parallel_loop3A_476 = vector.broadcast %squeeze3A_151 : f32 to vector<16xf32>
        %parallel_loop3A_477 = arith.mulf %parallel_loop3A_446, %parallel_loop3A_476 : vector<16xf32>
        %parallel_loop3A_478 = arith.addf %parallel_loop3A_475, %parallel_loop3A_477 : vector<16xf32>
        %parallel_loop3A_479 = vector.broadcast %squeeze3A_157 : f32 to vector<16xf32>
        %parallel_loop3A_480 = arith.addf %parallel_loop3A_478, %parallel_loop3A_479 : vector<16xf32>
        %parallel_loop3A_481 = arith.index_cast %parallel_loop3A_440 : i32 to index
        %parallel_loop3A_482 = tpu.vector_load %arg10[%parallel_loop3A_481] {strides = array<i32>} : memref<8192xf32, #tpu.memory_space<vmem>>, vector<16xf32>,
        tpu.vector_store %arg10[%parallel_loop3A_481], %parallel_loop3A_480 {strides = array<i32>} : memref<8192xf32, #tpu.memory_space<vmem>>, vector<16xf32>,
        %parallel_loop3A_483 = vector.broadcast %squeeze3A_159 : f32 to vector<16xf32>
        %parallel_loop3A_484 = arith.mulf %parallel_loop3A_442, %parallel_loop3A_483 : vector<16xf32>
        %parallel_loop3A_485 = vector.broadcast %squeeze3A_161 : f32 to vector<16xf32>
        %parallel_loop3A_486 = arith.mulf %parallel_loop3A_444, %parallel_loop3A_485 : vector<16xf32>
        %parallel_loop3A_487 = arith.addf %parallel_loop3A_484, %parallel_loop3A_486 : vector<16xf32>
        %parallel_loop3A_488 = vector.broadcast %squeeze3A_163 : f32 to vector<16xf32>
        %parallel_loop3A_489 = arith.mulf %parallel_loop3A_446, %parallel_loop3A_488 : vector<16xf32>
        %parallel_loop3A_490 = arith.addf %parallel_loop3A_487, %parallel_loop3A_489 : vector<16xf32>
        %parallel_loop3A_491 = vector.broadcast %squeeze3A_177 : f32 to vector<16xf32>
        %parallel_loop3A_492 = arith.addf %parallel_loop3A_490, %parallel_loop3A_491 : vector<16xf32>
        %parallel_loop3A_493 = arith.index_cast %parallel_loop3A_440 : i32 to index
        %parallel_loop3A_494 = tpu.vector_load %arg11[%parallel_loop3A_493] {strides = array<i32>} : memref<8192xf32, #tpu.memory_space<vmem>>, vector<16xf32>,
        tpu.vector_store %arg11[%parallel_loop3A_493], %parallel_loop3A_492 {strides = array<i32>} : memref<8192xf32, #tpu.memory_space<vmem>>, vector<16xf32>,
        %parallel_loop3A_495 = vector.broadcast %squeeze3A_165 : f32 to vector<16xf32>
        %parallel_loop3A_496 = arith.mulf %parallel_loop3A_442, %parallel_loop3A_495 : vector<16xf32>
        %parallel_loop3A_497 = vector.broadcast %squeeze3A_167 : f32 to vector<16xf32>
        %parallel_loop3A_498 = arith.mulf %parallel_loop3A_444, %parallel_loop3A_497 : vector<16xf32>
        %parallel_loop3A_499 = arith.addf %parallel_loop3A_496, %parallel_loop3A_498 : vector<16xf32>
        %parallel_loop3A_500 = vector.broadcast %squeeze3A_169 : f32 to vector<16xf32>
        %parallel_loop3A_501 = arith.mulf %parallel_loop3A_446, %parallel_loop3A_500 : vector<16xf32>
        %parallel_loop3A_502 = arith.addf %parallel_loop3A_499, %parallel_loop3A_501 : vector<16xf32>
        %parallel_loop3A_503 = vector.broadcast %squeeze3A_179 : f32 to vector<16xf32>
        %parallel_loop3A_504 = arith.addf %parallel_loop3A_502, %parallel_loop3A_503 : vector<16xf32>
        %parallel_loop3A_505 = arith.index_cast %parallel_loop3A_440 : i32 to index
        %parallel_loop3A_506 = tpu.vector_load %arg12[%parallel_loop3A_505] {strides = array<i32>} : memref<8192xf32, #tpu.memory_space<vmem>>, vector<16xf32>,
        tpu.vector_store %arg12[%parallel_loop3A_505], %parallel_loop3A_504 {strides = array<i32>} : memref<8192xf32, #tpu.memory_space<vmem>>, vector<16xf32>,
        %parallel_loop3A_507 = vector.broadcast %squeeze3A_171 : f32 to vector<16xf32>
        %parallel_loop3A_508 = arith.mulf %parallel_loop3A_442, %parallel_loop3A_507 : vector<16xf32>
        %parallel_loop3A_509 = vector.broadcast %squeeze3A_173 : f32 to vector<16xf32>
        %parallel_loop3A_510 = arith.mulf %parallel_loop3A_444, %parallel_loop3A_509 : vector<16xf32>
        %parallel_loop3A_511 = arith.addf %parallel_loop3A_508, %parallel_loop3A_510 : vector<16xf32>
        %parallel_loop3A_512 = vector.broadcast %squeeze3A_175 : f32 to vector<16xf32>
        %parallel_loop3A_513 = arith.mulf %parallel_loop3A_446, %parallel_loop3A_512 : vector<16xf32>
        %parallel_loop3A_514 = arith.addf %parallel_loop3A_511, %parallel_loop3A_513 : vector<16xf32>
        %parallel_loop3A_515 = vector.broadcast %squeeze3A_181 : f32 to vector<16xf32>
        %parallel_loop3A_516 = arith.addf %parallel_loop3A_514, %parallel_loop3A_515 : vector<16xf32>
        %parallel_loop3A_517 = arith.index_cast %parallel_loop3A_440 : i32 to index
        %parallel_loop3A_518 = tpu.vector_load %arg13[%parallel_loop3A_517] {strides = array<i32>} : memref<8192xf32, #tpu.memory_space<vmem>>, vector<16xf32>,
        tpu.vector_store %arg13[%parallel_loop3A_517], %parallel_loop3A_516 {strides = array<i32>} : memref<8192xf32, #tpu.memory_space<vmem>>, vector<16xf32>,
        %parallel_loop3A_519 = vector.broadcast %squeeze3A_183 : f32 to vector<16xf32>
        %parallel_loop3A_520 = arith.mulf %parallel_loop3A_442, %parallel_loop3A_519 : vector<16xf32>
        %parallel_loop3A_521 = vector.broadcast %squeeze3A_185 : f32 to vector<16xf32>
        %parallel_loop3A_522 = arith.mulf %parallel_loop3A_444, %parallel_loop3A_521 : vector<16xf32>
        %parallel_loop3A_523 = arith.addf %parallel_loop3A_520, %parallel_loop3A_522 : vector<16xf32>
        %parallel_loop3A_524 = vector.broadcast %squeeze3A_187 : f32 to vector<16xf32>
        %parallel_loop3A_525 = arith.mulf %parallel_loop3A_446, %parallel_loop3A_524 : vector<16xf32>
        %parallel_loop3A_526 = arith.addf %parallel_loop3A_523, %parallel_loop3A_525 : vector<16xf32>
        %parallel_loop3A_527 = vector.broadcast %squeeze3A_201 : f32 to vector<16xf32>
        %parallel_loop3A_528 = arith.addf %parallel_loop3A_526, %parallel_loop3A_527 : vector<16xf32>
        %parallel_loop3A_529 = arith.index_cast %parallel_loop3A_440 : i32 to index
        %parallel_loop3A_530 = tpu.vector_load %arg14[%parallel_loop3A_529] {strides = array<i32>} : memref<8192xf32, #tpu.memory_space<vmem>>, vector<16xf32>,
        tpu.vector_store %arg14[%parallel_loop3A_529], %parallel_loop3A_528 {strides = array<i32>} : memref<8192xf32, #tpu.memory_space<vmem>>, vector<16xf32>,
        %parallel_loop3A_531 = vector.broadcast %squeeze3A_189 : f32 to vector<16xf32>
        %parallel_loop3A_532 = arith.mulf %parallel_loop3A_442, %parallel_loop3A_531 : vector<16xf32>
        %parallel_loop3A_533 = vector.broadcast %squeeze3A_191 : f32 to vector<16xf32>
        %parallel_loop3A_534 = arith.mulf %parallel_loop3A_444, %parallel_loop3A_533 : vector<16xf32>
        %parallel_loop3A_535 = arith.addf %parallel_loop3A_532, %parallel_loop3A_534 : vector<16xf32>
        %parallel_loop3A_536 = vector.broadcast %squeeze3A_193 : f32 to vector<16xf32>
        %parallel_loop3A_537 = arith.mulf %parallel_loop3A_446, %parallel_loop3A_536 : vector<16xf32>
        %parallel_loop3A_538 = arith.addf %parallel_loop3A_535, %parallel_loop3A_537 : vector<16xf32>
        %parallel_loop3A_539 = vector.broadcast %squeeze3A_203 : f32 to vector<16xf32>
        %parallel_loop3A_540 = arith.addf %parallel_loop3A_538, %parallel_loop3A_539 : vector<16xf32>
        %parallel_loop3A_541 = arith.index_cast %parallel_loop3A_440 : i32 to index
        %parallel_loop3A_542 = tpu.vector_load %arg15[%parallel_loop3A_541] {strides = array<i32>} : memref<8192xf32, #tpu.memory_space<vmem>>, vector<16xf32>,
        tpu.vector_store %arg15[%parallel_loop3A_541], %parallel_loop3A_540 {strides = array<i32>} : memref<8192xf32, #tpu.memory_space<vmem>>, vector<16xf32>,
        %parallel_loop3A_543 = vector.broadcast %squeeze3A_195 : f32 to vector<16xf32>
        %parallel_loop3A_544 = arith.mulf %parallel_loop3A_442, %parallel_loop3A_543 : vector<16xf32>
        %parallel_loop3A_545 = vector.broadcast %squeeze3A_197 : f32 to vector<16xf32>
        %parallel_loop3A_546 = arith.mulf %parallel_loop3A_444, %parallel_loop3A_545 : vector<16xf32>
        %parallel_loop3A_547 = arith.addf %parallel_loop3A_544, %parallel_loop3A_546 : vector<16xf32>
        %parallel_loop3A_548 = vector.broadcast %squeeze3A_199 : f32 to vector<16xf32>
        %parallel_loop3A_549 = arith.mulf %parallel_loop3A_446, %parallel_loop3A_548 : vector<16xf32>
        %parallel_loop3A_550 = arith.addf %parallel_loop3A_547, %parallel_loop3A_549 : vector<16xf32>
        %parallel_loop3A_551 = vector.broadcast %squeeze3A_205 : f32 to vector<16xf32>
        %parallel_loop3A_552 = arith.addf %parallel_loop3A_550, %parallel_loop3A_551 : vector<16xf32>
        %parallel_loop3A_553 = arith.index_cast %parallel_loop3A_440 : i32 to index
        %parallel_loop3A_554 = tpu.vector_load %arg16[%parallel_loop3A_553] {strides = array<i32>} : memref<8192xf32, #tpu.memory_space<vmem>>, vector<16xf32>,
        tpu.vector_store %arg16[%parallel_loop3A_553], %parallel_loop3A_552 {strides = array<i32>} : memref<8192xf32, #tpu.memory_space<vmem>>, vector<16xf32>,
        %parallel_loop3A_555 = vector.broadcast %squeeze3A_207 : f32 to vector<16xf32>
        %parallel_loop3A_556 = arith.mulf %parallel_loop3A_442, %parallel_loop3A_555 : vector<16xf32>
        %parallel_loop3A_557 = vector.broadcast %squeeze3A_209 : f32 to vector<16xf32>
        %parallel_loop3A_558 = arith.mulf %parallel_loop3A_444, %parallel_loop3A_557 : vector<16xf32>
        %parallel_loop3A_559 = arith.addf %parallel_loop3A_556, %parallel_loop3A_558 : vector<16xf32>
        %parallel_loop3A_560 = vector.broadcast %squeeze3A_211 : f32 to vector<16xf32>
        %parallel_loop3A_561 = arith.mulf %parallel_loop3A_446, %parallel_loop3A_560 : vector<16xf32>
        %parallel_loop3A_562 = arith.addf %parallel_loop3A_559, %parallel_loop3A_561 : vector<16xf32>
        %parallel_loop3A_563 = vector.broadcast %squeeze3A_225 : f32 to vector<16xf32>
        %parallel_loop3A_564 = arith.addf %parallel_loop3A_562, %parallel_loop3A_563 : vector<16xf32>
        %parallel_loop3A_565 = arith.index_cast %parallel_loop3A_440 : i32 to index
        %parallel_loop3A_566 = tpu.vector_load %arg17[%parallel_loop3A_565] {strides = array<i32>} : memref<8192xf32, #tpu.memory_space<vmem>>, vector<16xf32>,
        tpu.vector_store %arg17[%parallel_loop3A_565], %parallel_loop3A_564 {strides = array<i32>} : memref<8192xf32, #tpu.memory_space<vmem>>, vector<16xf32>,
        %parallel_loop3A_567 = vector.broadcast %squeeze3A_213 : f32 to vector<16xf32>
        %parallel_loop3A_568 = arith.mulf %parallel_loop3A_442, %parallel_loop3A_567 : vector<16xf32>
        %parallel_loop3A_569 = vector.broadcast %squeeze3A_215 : f32 to vector<16xf32>
        %parallel_loop3A_570 = arith.mulf %parallel_loop3A_444, %parallel_loop3A_569 : vector<16xf32>
        %parallel_loop3A_571 = arith.addf %parallel_loop3A_568, %parallel_loop3A_570 : vector<16xf32>
        %parallel_loop3A_572 = vector.broadcast %squeeze3A_217 : f32 to vector<16xf32>
        %parallel_loop3A_573 = arith.mulf %parallel_loop3A_446, %parallel_loop3A_572 : vector<16xf32>
        %parallel_loop3A_574 = arith.addf %parallel_loop3A_571, %parallel_loop3A_573 : vector<16xf32>
        %parallel_loop3A_575 = vector.broadcast %squeeze3A_227 : f32 to vector<16xf32>
        %parallel_loop3A_576 = arith.addf %parallel_loop3A_574, %parallel_loop3A_575 : vector<16xf32>
        %parallel_loop3A_577 = arith.index_cast %parallel_loop3A_440 : i32 to index
        %parallel_loop3A_578 = tpu.vector_load %arg18[%parallel_loop3A_577] {strides = array<i32>} : memref<8192xf32, #tpu.memory_space<vmem>>, vector<16xf32>,
        tpu.vector_store %arg18[%parallel_loop3A_577], %parallel_loop3A_576 {strides = array<i32>} : memref<8192xf32, #tpu.memory_space<vmem>>, vector<16xf32>,
        %parallel_loop3A_579 = vector.broadcast %squeeze3A_219 : f32 to vector<16xf32>
        %parallel_loop3A_580 = arith.mulf %parallel_loop3A_442, %parallel_loop3A_579 : vector<16xf32>
        %parallel_loop3A_581 = vector.broadcast %squeeze3A_221 : f32 to vector<16xf32>
        %parallel_loop3A_582 = arith.mulf %parallel_loop3A_444, %parallel_loop3A_581 : vector<16xf32>
        %parallel_loop3A_583 = arith.addf %parallel_loop3A_580, %parallel_loop3A_582 : vector<16xf32>
        %parallel_loop3A_584 = vector.broadcast %squeeze3A_223 : f32 to vector<16xf32>
        %parallel_loop3A_585 = arith.mulf %parallel_loop3A_446, %parallel_loop3A_584 : vector<16xf32>
        %parallel_loop3A_586 = arith.addf %parallel_loop3A_583, %parallel_loop3A_585 : vector<16xf32>
        %parallel_loop3A_587 = vector.broadcast %squeeze3A_229 : f32 to vector<16xf32>
        %parallel_loop3A_588 = arith.addf %parallel_loop3A_586, %parallel_loop3A_587 : vector<16xf32>
        %parallel_loop3A_589 = arith.index_cast %parallel_loop3A_440 : i32 to index
        %parallel_loop3A_590 = tpu.vector_load %arg19[%parallel_loop3A_589] {strides = array<i32>} : memref<8192xf32, #tpu.memory_space<vmem>>, vector<16xf32>,
        tpu.vector_store %arg19[%parallel_loop3A_589], %parallel_loop3A_588 {strides = array<i32>} : memref<8192xf32, #tpu.memory_space<vmem>>, vector<16xf32>,
      } {sc.loop_unroll_factor = 2 : i64, sc.parallel_access}
      %add3A_281 = arith.constant 0 : i32
      %add3A_282 = arith.addi %add3A_281, %add3A : i32
      %mul3A_283 = arith.constant 2048 : i32
      %mul3A_284 = arith.muli %scan3A_274, %mul3A_283 : i32
      %mul3A_285 = arith.constant 2048 : i32
      %mul3A_286 = arith.muli %scan3A_274, %mul3A_285 : i32
      %dma_start3A_287 = arith.constant 0 : i32
      %dma_start3A_288 = tpu.memref_slice %arg8[%mul3A_284] : memref<8192xf32, #tpu.memory_space<vmem>> -> memref<2048xf32, #tpu.memory_space<vmem>>
      %dma_start3A_289 = tpu.memref_slice %arg4[%dma_start3A_287, %add3A_282, %mul3A_286] : memref<3x128x8192xf32, #tpu.memory_space<hbm>> -> memref<1x1x2048xf32, #tpu.memory_space<hbm>>
      %dma_start3A_290 = tpu.memref_squeeze %dma_start3A_289 : memref<1x1x2048xf32, #tpu.memory_space<hbm>> -> memref<2048xf32, #tpu.memory_space<hbm>>
      %dma_start3A_291 = tpu.memref_slice %arg4[%dma_start3A_287, %add3A_282, %mul3A_286] : memref<3x128x8192xf32, #tpu.memory_space<hbm>> -> memref<1x1x2048xf32, #tpu.memory_space<hbm>>
      %dma_start3A_292 = tpu.memref_squeeze %dma_start3A_291 : memref<1x1x2048xf32, #tpu.memory_space<hbm>> -> memref<2048xf32, #tpu.memory_space<hbm>>
      %dma_start3A_293 = tpu.memref_slice %arg8[%mul3A_284] : memref<8192xf32, #tpu.memory_space<vmem>> -> memref<2048xf32, #tpu.memory_space<vmem>>
      tpu.enqueue_dma source(%dma_start3A_293 : memref<2048xf32, #tpu.memory_space<vmem>>) target(%dma_start3A_292 : memref<2048xf32, #tpu.memory_space<hbm>>) target_semaphore(%arg26 : memref<!tpu.dma_semaphore, #tpu.memory_space<semaphore_mem>>)
      %add3A_294 = arith.constant 0 : i32
      %add3A_295 = arith.addi %add3A_294, %add3A : i32
      %mul3A_296 = arith.constant 2048 : i32
      %mul3A_297 = arith.muli %scan3A_274, %mul3A_296 : i32
      %mul3A_298 = arith.constant 2048 : i32
      %mul3A_299 = arith.muli %scan3A_274, %mul3A_298 : i32
      %dma_start3A_300 = arith.constant 1 : i32
      %dma_start3A_301 = tpu.memref_slice %arg9[%mul3A_297] : memref<8192xf32, #tpu.memory_space<vmem>> -> memref<2048xf32, #tpu.memory_space<vmem>>
      %dma_start3A_302 = tpu.memref_slice %arg4[%dma_start3A_300, %add3A_295, %mul3A_299] : memref<3x128x8192xf32, #tpu.memory_space<hbm>> -> memref<1x1x2048xf32, #tpu.memory_space<hbm>>
      %dma_start3A_303 = tpu.memref_squeeze %dma_start3A_302 : memref<1x1x2048xf32, #tpu.memory_space<hbm>> -> memref<2048xf32, #tpu.memory_space<hbm>>
      %dma_start3A_304 = tpu.memref_slice %arg4[%dma_start3A_300, %add3A_295, %mul3A_299] : memref<3x128x8192xf32, #tpu.memory_space<hbm>> -> memref<1x1x2048xf32, #tpu.memory_space<hbm>>
      %dma_start3A_305 = tpu.memref_squeeze %dma_start3A_304 : memref<1x1x2048xf32, #tpu.memory_space<hbm>> -> memref<2048xf32, #tpu.memory_space<hbm>>
      %dma_start3A_306 = tpu.memref_slice %arg9[%mul3A_297] : memref<8192xf32, #tpu.memory_space<vmem>> -> memref<2048xf32, #tpu.memory_space<vmem>>
      tpu.enqueue_dma source(%dma_start3A_306 : memref<2048xf32, #tpu.memory_space<vmem>>) target(%dma_start3A_305 : memref<2048xf32, #tpu.memory_space<hbm>>) target_semaphore(%arg26 : memref<!tpu.dma_semaphore, #tpu.memory_space<semaphore_mem>>)
      %add3A_307 = arith.constant 0 : i32
      %add3A_308 = arith.addi %add3A_307, %add3A : i32
      %mul3A_309 = arith.constant 2048 : i32
      %mul3A_310 = arith.muli %scan3A_274, %mul3A_309 : i32
      %mul3A_311 = arith.constant 2048 : i32
      %mul3A_312 = arith.muli %scan3A_274, %mul3A_311 : i32
      %dma_start3A_313 = arith.constant 2 : i32
      %dma_start3A_314 = tpu.memref_slice %arg10[%mul3A_310] : memref<8192xf32, #tpu.memory_space<vmem>> -> memref<2048xf32, #tpu.memory_space<vmem>>
      %dma_start3A_315 = tpu.memref_slice %arg4[%dma_start3A_313, %add3A_308, %mul3A_312] : memref<3x128x8192xf32, #tpu.memory_space<hbm>> -> memref<1x1x2048xf32, #tpu.memory_space<hbm>>
      %dma_start3A_316 = tpu.memref_squeeze %dma_start3A_315 : memref<1x1x2048xf32, #tpu.memory_space<hbm>> -> memref<2048xf32, #tpu.memory_space<hbm>>
      %dma_start3A_317 = tpu.memref_slice %arg4[%dma_start3A_313, %add3A_308, %mul3A_312] : memref<3x128x8192xf32, #tpu.memory_space<hbm>> -> memref<1x1x2048xf32, #tpu.memory_space<hbm>>
      %dma_start3A_318 = tpu.memref_squeeze %dma_start3A_317 : memref<1x1x2048xf32, #tpu.memory_space<hbm>> -> memref<2048xf32, #tpu.memory_space<hbm>>
      %dma_start3A_319 = tpu.memref_slice %arg10[%mul3A_310] : memref<8192xf32, #tpu.memory_space<vmem>> -> memref<2048xf32, #tpu.memory_space<vmem>>
      tpu.enqueue_dma source(%dma_start3A_319 : memref<2048xf32, #tpu.memory_space<vmem>>) target(%dma_start3A_318 : memref<2048xf32, #tpu.memory_space<hbm>>) target_semaphore(%arg26 : memref<!tpu.dma_semaphore, #tpu.memory_space<semaphore_mem>>)
      %add3A_320 = arith.constant 32 : i32
      %add3A_321 = arith.addi %add3A_320, %add3A : i32
      %mul3A_322 = arith.constant 2048 : i32
      %mul3A_323 = arith.muli %scan3A_274, %mul3A_322 : i32
      %mul3A_324 = arith.constant 2048 : i32
      %mul3A_325 = arith.muli %scan3A_274, %mul3A_324 : i32
      %dma_start3A_326 = arith.constant 0 : i32
      %dma_start3A_327 = tpu.memref_slice %arg11[%mul3A_323] : memref<8192xf32, #tpu.memory_space<vmem>> -> memref<2048xf32, #tpu.memory_space<vmem>>
      %dma_start3A_328 = tpu.memref_slice %arg4[%dma_start3A_326, %add3A_321, %mul3A_325] : memref<3x128x8192xf32, #tpu.memory_space<hbm>> -> memref<1x1x2048xf32, #tpu.memory_space<hbm>>
      %dma_start3A_329 = tpu.memref_squeeze %dma_start3A_328 : memref<1x1x2048xf32, #tpu.memory_space<hbm>> -> memref<2048xf32, #tpu.memory_space<hbm>>
      %dma_start3A_330 = tpu.memref_slice %arg4[%dma_start3A_326, %add3A_321, %mul3A_325] : memref<3x128x8192xf32, #tpu.memory_space<hbm>> -> memref<1x1x2048xf32, #tpu.memory_space<hbm>>
      %dma_start3A_331 = tpu.memref_squeeze %dma_start3A_330 : memref<1x1x2048xf32, #tpu.memory_space<hbm>> -> memref<2048xf32, #tpu.memory_space<hbm>>
      %dma_start3A_332 = tpu.memref_slice %arg11[%mul3A_323] : memref<8192xf32, #tpu.memory_space<vmem>> -> memref<2048xf32, #tpu.memory_space<vmem>>
      tpu.enqueue_dma source(%dma_start3A_332 : memref<2048xf32, #tpu.memory_space<vmem>>) target(%dma_start3A_331 : memref<2048xf32, #tpu.memory_space<hbm>>) target_semaphore(%arg26 : memref<!tpu.dma_semaphore, #tpu.memory_space<semaphore_mem>>)
      %add3A_333 = arith.constant 32 : i32
      %add3A_334 = arith.addi %add3A_333, %add3A : i32
      %mul3A_335 = arith.constant 2048 : i32
      %mul3A_336 = arith.muli %scan3A_274, %mul3A_335 : i32
      %mul3A_337 = arith.constant 2048 : i32
      %mul3A_338 = arith.muli %scan3A_274, %mul3A_337 : i32
      %dma_start3A_339 = arith.constant 1 : i32
      %dma_start3A_340 = tpu.memref_slice %arg12[%mul3A_336] : memref<8192xf32, #tpu.memory_space<vmem>> -> memref<2048xf32, #tpu.memory_space<vmem>>
      %dma_start3A_341 = tpu.memref_slice %arg4[%dma_start3A_339, %add3A_334, %mul3A_338] : memref<3x128x8192xf32, #tpu.memory_space<hbm>> -> memref<1x1x2048xf32, #tpu.memory_space<hbm>>
      %dma_start3A_342 = tpu.memref_squeeze %dma_start3A_341 : memref<1x1x2048xf32, #tpu.memory_space<hbm>> -> memref<2048xf32, #tpu.memory_space<hbm>>
      %dma_start3A_343 = tpu.memref_slice %arg4[%dma_start3A_339, %add3A_334, %mul3A_338] : memref<3x128x8192xf32, #tpu.memory_space<hbm>> -> memref<1x1x2048xf32, #tpu.memory_space<hbm>>
      %dma_start3A_344 = tpu.memref_squeeze %dma_start3A_343 : memref<1x1x2048xf32, #tpu.memory_space<hbm>> -> memref<2048xf32, #tpu.memory_space<hbm>>
      %dma_start3A_345 = tpu.memref_slice %arg12[%mul3A_336] : memref<8192xf32, #tpu.memory_space<vmem>> -> memref<2048xf32, #tpu.memory_space<vmem>>
      tpu.enqueue_dma source(%dma_start3A_345 : memref<2048xf32, #tpu.memory_space<vmem>>) target(%dma_start3A_344 : memref<2048xf32, #tpu.memory_space<hbm>>) target_semaphore(%arg26 : memref<!tpu.dma_semaphore, #tpu.memory_space<semaphore_mem>>)
      %add3A_346 = arith.constant 32 : i32
      %add3A_347 = arith.addi %add3A_346, %add3A : i32
      %mul3A_348 = arith.constant 2048 : i32
      %mul3A_349 = arith.muli %scan3A_274, %mul3A_348 : i32
      %mul3A_350 = arith.constant 2048 : i32
      %mul3A_351 = arith.muli %scan3A_274, %mul3A_350 : i32
      %dma_start3A_352 = arith.constant 2 : i32
      %dma_start3A_353 = tpu.memref_slice %arg13[%mul3A_349] : memref<8192xf32, #tpu.memory_space<vmem>> -> memref<2048xf32, #tpu.memory_space<vmem>>
      %dma_start3A_354 = tpu.memref_slice %arg4[%dma_start3A_352, %add3A_347, %mul3A_351] : memref<3x128x8192xf32, #tpu.memory_space<hbm>> -> memref<1x1x2048xf32, #tpu.memory_space<hbm>>
      %dma_start3A_355 = tpu.memref_squeeze %dma_start3A_354 : memref<1x1x2048xf32, #tpu.memory_space<hbm>> -> memref<2048xf32, #tpu.memory_space<hbm>>
      %dma_start3A_356 = tpu.memref_slice %arg4[%dma_start3A_352, %add3A_347, %mul3A_351] : memref<3x128x8192xf32, #tpu.memory_space<hbm>> -> memref<1x1x2048xf32, #tpu.memory_space<hbm>>
      %dma_start3A_357 = tpu.memref_squeeze %dma_start3A_356 : memref<1x1x2048xf32, #tpu.memory_space<hbm>> -> memref<2048xf32, #tpu.memory_space<hbm>>
      %dma_start3A_358 = tpu.memref_slice %arg13[%mul3A_349] : memref<8192xf32, #tpu.memory_space<vmem>> -> memref<2048xf32, #tpu.memory_space<vmem>>
      tpu.enqueue_dma source(%dma_start3A_358 : memref<2048xf32, #tpu.memory_space<vmem>>) target(%dma_start3A_357 : memref<2048xf32, #tpu.memory_space<hbm>>) target_semaphore(%arg26 : memref<!tpu.dma_semaphore, #tpu.memory_space<semaphore_mem>>)
      %add3A_359 = arith.constant 64 : i32
      %add3A_360 = arith.addi %add3A_359, %add3A : i32
      %mul3A_361 = arith.constant 2048 : i32
      %mul3A_362 = arith.muli %scan3A_274, %mul3A_361 : i32
      %mul3A_363 = arith.constant 2048 : i32
      %mul3A_364 = arith.muli %scan3A_274, %mul3A_363 : i32
      %dma_start3A_365 = arith.constant 0 : i32
      %dma_start3A_366 = tpu.memref_slice %arg14[%mul3A_362] : memref<8192xf32, #tpu.memory_space<vmem>> -> memref<2048xf32, #tpu.memory_space<vmem>>
      %dma_start3A_367 = tpu.memref_slice %arg4[%dma_start3A_365, %add3A_360, %mul3A_364] : memref<3x128x8192xf32, #tpu.memory_space<hbm>> -> memref<1x1x2048xf32, #tpu.memory_space<hbm>>
      %dma_start3A_368 = tpu.memref_squeeze %dma_start3A_367 : memref<1x1x2048xf32, #tpu.memory_space<hbm>> -> memref<2048xf32, #tpu.memory_space<hbm>>
      %dma_start3A_369 = tpu.memref_slice %arg4[%dma_start3A_365, %add3A_360, %mul3A_364] : memref<3x128x8192xf32, #tpu.memory_space<hbm>> -> memref<1x1x2048xf32, #tpu.memory_space<hbm>>
      %dma_start3A_370 = tpu.memref_squeeze %dma_start3A_369 : memref<1x1x2048xf32, #tpu.memory_space<hbm>> -> memref<2048xf32, #tpu.memory_space<hbm>>
      %dma_start3A_371 = tpu.memref_slice %arg14[%mul3A_362] : memref<8192xf32, #tpu.memory_space<vmem>> -> memref<2048xf32, #tpu.memory_space<vmem>>
      tpu.enqueue_dma source(%dma_start3A_371 : memref<2048xf32, #tpu.memory_space<vmem>>) target(%dma_start3A_370 : memref<2048xf32, #tpu.memory_space<hbm>>) target_semaphore(%arg26 : memref<!tpu.dma_semaphore, #tpu.memory_space<semaphore_mem>>)
      %add3A_372 = arith.constant 64 : i32
      %add3A_373 = arith.addi %add3A_372, %add3A : i32
      %mul3A_374 = arith.constant 2048 : i32
      %mul3A_375 = arith.muli %scan3A_274, %mul3A_374 : i32
      %mul3A_376 = arith.constant 2048 : i32
      %mul3A_377 = arith.muli %scan3A_274, %mul3A_376 : i32
      %dma_start3A_378 = arith.constant 1 : i32
      %dma_start3A_379 = tpu.memref_slice %arg15[%mul3A_375] : memref<8192xf32, #tpu.memory_space<vmem>> -> memref<2048xf32, #tpu.memory_space<vmem>>
      %dma_start3A_380 = tpu.memref_slice %arg4[%dma_start3A_378, %add3A_373, %mul3A_377] : memref<3x128x8192xf32, #tpu.memory_space<hbm>> -> memref<1x1x2048xf32, #tpu.memory_space<hbm>>
      %dma_start3A_381 = tpu.memref_squeeze %dma_start3A_380 : memref<1x1x2048xf32, #tpu.memory_space<hbm>> -> memref<2048xf32, #tpu.memory_space<hbm>>
      %dma_start3A_382 = tpu.memref_slice %arg4[%dma_start3A_378, %add3A_373, %mul3A_377] : memref<3x128x8192xf32, #tpu.memory_space<hbm>> -> memref<1x1x2048xf32, #tpu.memory_space<hbm>>
      %dma_start3A_383 = tpu.memref_squeeze %dma_start3A_382 : memref<1x1x2048xf32, #tpu.memory_space<hbm>> -> memref<2048xf32, #tpu.memory_space<hbm>>
      %dma_start3A_384 = tpu.memref_slice %arg15[%mul3A_375] : memref<8192xf32, #tpu.memory_space<vmem>> -> memref<2048xf32, #tpu.memory_space<vmem>>
      tpu.enqueue_dma source(%dma_start3A_384 : memref<2048xf32, #tpu.memory_space<vmem>>) target(%dma_start3A_383 : memref<2048xf32, #tpu.memory_space<hbm>>) target_semaphore(%arg26 : memref<!tpu.dma_semaphore, #tpu.memory_space<semaphore_mem>>)
      %add3A_385 = arith.constant 64 : i32
      %add3A_386 = arith.addi %add3A_385, %add3A : i32
      %mul3A_387 = arith.constant 2048 : i32
      %mul3A_388 = arith.muli %scan3A_274, %mul3A_387 : i32
      %mul3A_389 = arith.constant 2048 : i32
      %mul3A_390 = arith.muli %scan3A_274, %mul3A_389 : i32
      %dma_start3A_391 = arith.constant 2 : i32
      %dma_start3A_392 = tpu.memref_slice %arg16[%mul3A_388] : memref<8192xf32, #tpu.memory_space<vmem>> -> memref<2048xf32, #tpu.memory_space<vmem>>
      %dma_start3A_393 = tpu.memref_slice %arg4[%dma_start3A_391, %add3A_386, %mul3A_390] : memref<3x128x8192xf32, #tpu.memory_space<hbm>> -> memref<1x1x2048xf32, #tpu.memory_space<hbm>>
      %dma_start3A_394 = tpu.memref_squeeze %dma_start3A_393 : memref<1x1x2048xf32, #tpu.memory_space<hbm>> -> memref<2048xf32, #tpu.memory_space<hbm>>
      %dma_start3A_395 = tpu.memref_slice %arg4[%dma_start3A_391, %add3A_386, %mul3A_390] : memref<3x128x8192xf32, #tpu.memory_space<hbm>> -> memref<1x1x2048xf32, #tpu.memory_space<hbm>>
      %dma_start3A_396 = tpu.memref_squeeze %dma_start3A_395 : memref<1x1x2048xf32, #tpu.memory_space<hbm>> -> memref<2048xf32, #tpu.memory_space<hbm>>
      %dma_start3A_397 = tpu.memref_slice %arg16[%mul3A_388] : memref<8192xf32, #tpu.memory_space<vmem>> -> memref<2048xf32, #tpu.memory_space<vmem>>
      tpu.enqueue_dma source(%dma_start3A_397 : memref<2048xf32, #tpu.memory_space<vmem>>) target(%dma_start3A_396 : memref<2048xf32, #tpu.memory_space<hbm>>) target_semaphore(%arg26 : memref<!tpu.dma_semaphore, #tpu.memory_space<semaphore_mem>>)
      %add3A_398 = arith.constant 96 : i32
      %add3A_399 = arith.addi %add3A_398, %add3A : i32
      %mul3A_400 = arith.constant 2048 : i32
      %mul3A_401 = arith.muli %scan3A_274, %mul3A_400 : i32
      %mul3A_402 = arith.constant 2048 : i32
      %mul3A_403 = arith.muli %scan3A_274, %mul3A_402 : i32
      %dma_start3A_404 = arith.constant 0 : i32
      %dma_start3A_405 = tpu.memref_slice %arg17[%mul3A_401] : memref<8192xf32, #tpu.memory_space<vmem>> -> memref<2048xf32, #tpu.memory_space<vmem>>
      %dma_start3A_406 = tpu.memref_slice %arg4[%dma_start3A_404, %add3A_399, %mul3A_403] : memref<3x128x8192xf32, #tpu.memory_space<hbm>> -> memref<1x1x2048xf32, #tpu.memory_space<hbm>>
      %dma_start3A_407 = tpu.memref_squeeze %dma_start3A_406 : memref<1x1x2048xf32, #tpu.memory_space<hbm>> -> memref<2048xf32, #tpu.memory_space<hbm>>
      %dma_start3A_408 = tpu.memref_slice %arg4[%dma_start3A_404, %add3A_399, %mul3A_403] : memref<3x128x8192xf32, #tpu.memory_space<hbm>> -> memref<1x1x2048xf32, #tpu.memory_space<hbm>>
      %dma_start3A_409 = tpu.memref_squeeze %dma_start3A_408 : memref<1x1x2048xf32, #tpu.memory_space<hbm>> -> memref<2048xf32, #tpu.memory_space<hbm>>
      %dma_start3A_410 = tpu.memref_slice %arg17[%mul3A_401] : memref<8192xf32, #tpu.memory_space<vmem>> -> memref<2048xf32, #tpu.memory_space<vmem>>
      tpu.enqueue_dma source(%dma_start3A_410 : memref<2048xf32, #tpu.memory_space<vmem>>) target(%dma_start3A_409 : memref<2048xf32, #tpu.memory_space<hbm>>) target_semaphore(%arg26 : memref<!tpu.dma_semaphore, #tpu.memory_space<semaphore_mem>>)
      %add3A_411 = arith.constant 96 : i32
      %add3A_412 = arith.addi %add3A_411, %add3A : i32
      %mul3A_413 = arith.constant 2048 : i32
      %mul3A_414 = arith.muli %scan3A_274, %mul3A_413 : i32
      %mul3A_415 = arith.constant 2048 : i32
      %mul3A_416 = arith.muli %scan3A_274, %mul3A_415 : i32
      %dma_start3A_417 = arith.constant 1 : i32
      %dma_start3A_418 = tpu.memref_slice %arg18[%mul3A_414] : memref<8192xf32, #tpu.memory_space<vmem>> -> memref<2048xf32, #tpu.memory_space<vmem>>
      %dma_start3A_419 = tpu.memref_slice %arg4[%dma_start3A_417, %add3A_412, %mul3A_416] : memref<3x128x8192xf32, #tpu.memory_space<hbm>> -> memref<1x1x2048xf32, #tpu.memory_space<hbm>>
      %dma_start3A_420 = tpu.memref_squeeze %dma_start3A_419 : memref<1x1x2048xf32, #tpu.memory_space<hbm>> -> memref<2048xf32, #tpu.memory_space<hbm>>
      %dma_start3A_421 = tpu.memref_slice %arg4[%dma_start3A_417, %add3A_412, %mul3A_416] : memref<3x128x8192xf32, #tpu.memory_space<hbm>> -> memref<1x1x2048xf32, #tpu.memory_space<hbm>>
      %dma_start3A_422 = tpu.memref_squeeze %dma_start3A_421 : memref<1x1x2048xf32, #tpu.memory_space<hbm>> -> memref<2048xf32, #tpu.memory_space<hbm>>
      %dma_start3A_423 = tpu.memref_slice %arg18[%mul3A_414] : memref<8192xf32, #tpu.memory_space<vmem>> -> memref<2048xf32, #tpu.memory_space<vmem>>
      tpu.enqueue_dma source(%dma_start3A_423 : memref<2048xf32, #tpu.memory_space<vmem>>) target(%dma_start3A_422 : memref<2048xf32, #tpu.memory_space<hbm>>) target_semaphore(%arg26 : memref<!tpu.dma_semaphore, #tpu.memory_space<semaphore_mem>>)
      %add3A_424 = arith.constant 96 : i32
      %add3A_425 = arith.addi %add3A_424, %add3A : i32
      %mul3A_426 = arith.constant 2048 : i32
      %mul3A_427 = arith.muli %scan3A_274, %mul3A_426 : i32
      %mul3A_428 = arith.constant 2048 : i32
      %mul3A_429 = arith.muli %scan3A_274, %mul3A_428 : i32
      %dma_start3A_430 = arith.constant 2 : i32
      %dma_start3A_431 = tpu.memref_slice %arg19[%mul3A_427] : memref<8192xf32, #tpu.memory_space<vmem>> -> memref<2048xf32, #tpu.memory_space<vmem>>
      %dma_start3A_432 = tpu.memref_slice %arg4[%dma_start3A_430, %add3A_425, %mul3A_429] : memref<3x128x8192xf32, #tpu.memory_space<hbm>> -> memref<1x1x2048xf32, #tpu.memory_space<hbm>>
      %dma_start3A_433 = tpu.memref_squeeze %dma_start3A_432 : memref<1x1x2048xf32, #tpu.memory_space<hbm>> -> memref<2048xf32, #tpu.memory_space<hbm>>
      %dma_start3A_434 = tpu.memref_slice %arg4[%dma_start3A_430, %add3A_425, %mul3A_429] : memref<3x128x8192xf32, #tpu.memory_space<hbm>> -> memref<1x1x2048xf32, #tpu.memory_space<hbm>>
      %dma_start3A_435 = tpu.memref_squeeze %dma_start3A_434 : memref<1x1x2048xf32, #tpu.memory_space<hbm>> -> memref<2048xf32, #tpu.memory_space<hbm>>
      %dma_start3A_436 = tpu.memref_slice %arg19[%mul3A_427] : memref<8192xf32, #tpu.memory_space<vmem>> -> memref<2048xf32, #tpu.memory_space<vmem>>
      tpu.enqueue_dma source(%dma_start3A_436 : memref<2048xf32, #tpu.memory_space<vmem>>) target(%dma_start3A_435 : memref<2048xf32, #tpu.memory_space<hbm>>) target_semaphore(%arg26 : memref<!tpu.dma_semaphore, #tpu.memory_space<semaphore_mem>>)
    }
    %scan3A_267 = arith.constant 4 : i32
    %scan3A_268 = arith.constant 0 : i32
    %scan3A_269 = arith.constant 0 : i32
    %scan3A_270 = arith.constant 4 : i32
    %scan3A_271 = arith.addi %scan3A_269, %scan3A_270 : i32
    %scan3A_272 = arith.constant 1 : i32
    scf.for %scan3A_274 = %scan3A_269 to %scan3A_271 step %scan3A_272  : i32 {
      %add3A_275 = arith.constant 0 : i32
      %add3A_276 = arith.addi %add3A_275, %add3A : i32
      %mul3A_277 = arith.constant 2048 : i32
      %mul3A_278 = arith.muli %scan3A_274, %mul3A_277 : i32
      %mul3A_279 = arith.constant 2048 : i32
      %mul3A_280 = arith.muli %scan3A_274, %mul3A_279 : i32
      %dma_wait3A_281 = arith.constant 0 : i32
      %dma_wait3A_282 = tpu.memref_slice %arg8[%mul3A_278] : memref<8192xf32, #tpu.memory_space<vmem>> -> memref<2048xf32, #tpu.memory_space<vmem>>
      %dma_wait3A_283 = tpu.memref_slice %arg4[%dma_wait3A_281, %add3A_276, %mul3A_280] : memref<3x128x8192xf32, #tpu.memory_space<hbm>> -> memref<1x1x2048xf32, #tpu.memory_space<hbm>>
      %dma_wait3A_284 = tpu.memref_squeeze %dma_wait3A_283 : memref<1x1x2048xf32, #tpu.memory_space<hbm>> -> memref<2048xf32, #tpu.memory_space<hbm>>
      %dma_wait3A_285 = tpu.memref_slice %arg4[%dma_wait3A_281, %add3A_276, %mul3A_280] : memref<3x128x8192xf32, #tpu.memory_space<hbm>> -> memref<1x1x2048xf32, #tpu.memory_space<hbm>>
      %dma_wait3A_286 = tpu.memref_squeeze %dma_wait3A_285 : memref<1x1x2048xf32, #tpu.memory_space<hbm>> -> memref<2048xf32, #tpu.memory_space<hbm>>
      %dma_wait3A_287 = tpu.memref_slice %arg8[%mul3A_278] : memref<8192xf32, #tpu.memory_space<vmem>> -> memref<2048xf32, #tpu.memory_space<vmem>>
      tpu.wait_dma2 semaphore(%arg26 : memref<!tpu.dma_semaphore, #tpu.memory_space<semaphore_mem>>) src(%dma_wait3A_287 : memref<2048xf32, #tpu.memory_space<vmem>>) dst(%dma_wait3A_286 : memref<2048xf32, #tpu.memory_space<hbm>>)
      %add3A_288 = arith.constant 0 : i32
      %add3A_289 = arith.addi %add3A_288, %add3A : i32
      %mul3A_290 = arith.constant 2048 : i32
      %mul3A_291 = arith.muli %scan3A_274, %mul3A_290 : i32
      %mul3A_292 = arith.constant 2048 : i32
      %mul3A_293 = arith.muli %scan3A_274, %mul3A_292 : i32
      %dma_wait3A_294 = arith.constant 1 : i32
      %dma_wait3A_295 = tpu.memref_slice %arg9[%mul3A_291] : memref<8192xf32, #tpu.memory_space<vmem>> -> memref<2048xf32, #tpu.memory_space<vmem>>
      %dma_wait3A_296 = tpu.memref_slice %arg4[%dma_wait3A_294, %add3A_289, %mul3A_293] : memref<3x128x8192xf32, #tpu.memory_space<hbm>> -> memref<1x1x2048xf32, #tpu.memory_space<hbm>>
      %dma_wait3A_297 = tpu.memref_squeeze %dma_wait3A_296 : memref<1x1x2048xf32, #tpu.memory_space<hbm>> -> memref<2048xf32, #tpu.memory_space<hbm>>
      %dma_wait3A_298 = tpu.memref_slice %arg4[%dma_wait3A_294, %add3A_289, %mul3A_293] : memref<3x128x8192xf32, #tpu.memory_space<hbm>> -> memref<1x1x2048xf32, #tpu.memory_space<hbm>>
      %dma_wait3A_299 = tpu.memref_squeeze %dma_wait3A_298 : memref<1x1x2048xf32, #tpu.memory_space<hbm>> -> memref<2048xf32, #tpu.memory_space<hbm>>
      %dma_wait3A_300 = tpu.memref_slice %arg9[%mul3A_291] : memref<8192xf32, #tpu.memory_space<vmem>> -> memref<2048xf32, #tpu.memory_space<vmem>>
      tpu.wait_dma2 semaphore(%arg26 : memref<!tpu.dma_semaphore, #tpu.memory_space<semaphore_mem>>) src(%dma_wait3A_300 : memref<2048xf32, #tpu.memory_space<vmem>>) dst(%dma_wait3A_299 : memref<2048xf32, #tpu.memory_space<hbm>>)
      %add3A_301 = arith.constant 0 : i32
      %add3A_302 = arith.addi %add3A_301, %add3A : i32
      %mul3A_303 = arith.constant 2048 : i32
      %mul3A_304 = arith.muli %scan3A_274, %mul3A_303 : i32
      %mul3A_305 = arith.constant 2048 : i32
      %mul3A_306 = arith.muli %scan3A_274, %mul3A_305 : i32
      %dma_wait3A_307 = arith.constant 2 : i32
      %dma_wait3A_308 = tpu.memref_slice %arg10[%mul3A_304] : memref<8192xf32, #tpu.memory_space<vmem>> -> memref<2048xf32, #tpu.memory_space<vmem>>
      %dma_wait3A_309 = tpu.memref_slice %arg4[%dma_wait3A_307, %add3A_302, %mul3A_306] : memref<3x128x8192xf32, #tpu.memory_space<hbm>> -> memref<1x1x2048xf32, #tpu.memory_space<hbm>>
      %dma_wait3A_310 = tpu.memref_squeeze %dma_wait3A_309 : memref<1x1x2048xf32, #tpu.memory_space<hbm>> -> memref<2048xf32, #tpu.memory_space<hbm>>
      %dma_wait3A_311 = tpu.memref_slice %arg4[%dma_wait3A_307, %add3A_302, %mul3A_306] : memref<3x128x8192xf32, #tpu.memory_space<hbm>> -> memref<1x1x2048xf32, #tpu.memory_space<hbm>>
      %dma_wait3A_312 = tpu.memref_squeeze %dma_wait3A_311 : memref<1x1x2048xf32, #tpu.memory_space<hbm>> -> memref<2048xf32, #tpu.memory_space<hbm>>
      %dma_wait3A_313 = tpu.memref_slice %arg10[%mul3A_304] : memref<8192xf32, #tpu.memory_space<vmem>> -> memref<2048xf32, #tpu.memory_space<vmem>>
      tpu.wait_dma2 semaphore(%arg26 : memref<!tpu.dma_semaphore, #tpu.memory_space<semaphore_mem>>) src(%dma_wait3A_313 : memref<2048xf32, #tpu.memory_space<vmem>>) dst(%dma_wait3A_312 : memref<2048xf32, #tpu.memory_space<hbm>>)
      %add3A_314 = arith.constant 32 : i32
      %add3A_315 = arith.addi %add3A_314, %add3A : i32
      %mul3A_316 = arith.constant 2048 : i32
      %mul3A_317 = arith.muli %scan3A_274, %mul3A_316 : i32
      %mul3A_318 = arith.constant 2048 : i32
      %mul3A_319 = arith.muli %scan3A_274, %mul3A_318 : i32
      %dma_wait3A_320 = arith.constant 0 : i32
      %dma_wait3A_321 = tpu.memref_slice %arg11[%mul3A_317] : memref<8192xf32, #tpu.memory_space<vmem>> -> memref<2048xf32, #tpu.memory_space<vmem>>
      %dma_wait3A_322 = tpu.memref_slice %arg4[%dma_wait3A_320, %add3A_315, %mul3A_319] : memref<3x128x8192xf32, #tpu.memory_space<hbm>> -> memref<1x1x2048xf32, #tpu.memory_space<hbm>>
      %dma_wait3A_323 = tpu.memref_squeeze %dma_wait3A_322 : memref<1x1x2048xf32, #tpu.memory_space<hbm>> -> memref<2048xf32, #tpu.memory_space<hbm>>
      %dma_wait3A_324 = tpu.memref_slice %arg4[%dma_wait3A_320, %add3A_315, %mul3A_319] : memref<3x128x8192xf32, #tpu.memory_space<hbm>> -> memref<1x1x2048xf32, #tpu.memory_space<hbm>>
      %dma_wait3A_325 = tpu.memref_squeeze %dma_wait3A_324 : memref<1x1x2048xf32, #tpu.memory_space<hbm>> -> memref<2048xf32, #tpu.memory_space<hbm>>
      %dma_wait3A_326 = tpu.memref_slice %arg11[%mul3A_317] : memref<8192xf32, #tpu.memory_space<vmem>> -> memref<2048xf32, #tpu.memory_space<vmem>>
      tpu.wait_dma2 semaphore(%arg26 : memref<!tpu.dma_semaphore, #tpu.memory_space<semaphore_mem>>) src(%dma_wait3A_326 : memref<2048xf32, #tpu.memory_space<vmem>>) dst(%dma_wait3A_325 : memref<2048xf32, #tpu.memory_space<hbm>>)
      %add3A_327 = arith.constant 32 : i32
      %add3A_328 = arith.addi %add3A_327, %add3A : i32
      %mul3A_329 = arith.constant 2048 : i32
      %mul3A_330 = arith.muli %scan3A_274, %mul3A_329 : i32
      %mul3A_331 = arith.constant 2048 : i32
      %mul3A_332 = arith.muli %scan3A_274, %mul3A_331 : i32
      %dma_wait3A_333 = arith.constant 1 : i32
      %dma_wait3A_334 = tpu.memref_slice %arg12[%mul3A_330] : memref<8192xf32, #tpu.memory_space<vmem>> -> memref<2048xf32, #tpu.memory_space<vmem>>
      %dma_wait3A_335 = tpu.memref_slice %arg4[%dma_wait3A_333, %add3A_328, %mul3A_332] : memref<3x128x8192xf32, #tpu.memory_space<hbm>> -> memref<1x1x2048xf32, #tpu.memory_space<hbm>>
      %dma_wait3A_336 = tpu.memref_squeeze %dma_wait3A_335 : memref<1x1x2048xf32, #tpu.memory_space<hbm>> -> memref<2048xf32, #tpu.memory_space<hbm>>
      %dma_wait3A_337 = tpu.memref_slice %arg4[%dma_wait3A_333, %add3A_328, %mul3A_332] : memref<3x128x8192xf32, #tpu.memory_space<hbm>> -> memref<1x1x2048xf32, #tpu.memory_space<hbm>>
      %dma_wait3A_338 = tpu.memref_squeeze %dma_wait3A_337 : memref<1x1x2048xf32, #tpu.memory_space<hbm>> -> memref<2048xf32, #tpu.memory_space<hbm>>
      %dma_wait3A_339 = tpu.memref_slice %arg12[%mul3A_330] : memref<8192xf32, #tpu.memory_space<vmem>> -> memref<2048xf32, #tpu.memory_space<vmem>>
      tpu.wait_dma2 semaphore(%arg26 : memref<!tpu.dma_semaphore, #tpu.memory_space<semaphore_mem>>) src(%dma_wait3A_339 : memref<2048xf32, #tpu.memory_space<vmem>>) dst(%dma_wait3A_338 : memref<2048xf32, #tpu.memory_space<hbm>>)
      %add3A_340 = arith.constant 32 : i32
      %add3A_341 = arith.addi %add3A_340, %add3A : i32
      %mul3A_342 = arith.constant 2048 : i32
      %mul3A_343 = arith.muli %scan3A_274, %mul3A_342 : i32
      %mul3A_344 = arith.constant 2048 : i32
      %mul3A_345 = arith.muli %scan3A_274, %mul3A_344 : i32
      %dma_wait3A_346 = arith.constant 2 : i32
      %dma_wait3A_347 = tpu.memref_slice %arg13[%mul3A_343] : memref<8192xf32, #tpu.memory_space<vmem>> -> memref<2048xf32, #tpu.memory_space<vmem>>
      %dma_wait3A_348 = tpu.memref_slice %arg4[%dma_wait3A_346, %add3A_341, %mul3A_345] : memref<3x128x8192xf32, #tpu.memory_space<hbm>> -> memref<1x1x2048xf32, #tpu.memory_space<hbm>>
      %dma_wait3A_349 = tpu.memref_squeeze %dma_wait3A_348 : memref<1x1x2048xf32, #tpu.memory_space<hbm>> -> memref<2048xf32, #tpu.memory_space<hbm>>
      %dma_wait3A_350 = tpu.memref_slice %arg4[%dma_wait3A_346, %add3A_341, %mul3A_345] : memref<3x128x8192xf32, #tpu.memory_space<hbm>> -> memref<1x1x2048xf32, #tpu.memory_space<hbm>>
      %dma_wait3A_351 = tpu.memref_squeeze %dma_wait3A_350 : memref<1x1x2048xf32, #tpu.memory_space<hbm>> -> memref<2048xf32, #tpu.memory_space<hbm>>
      %dma_wait3A_352 = tpu.memref_slice %arg13[%mul3A_343] : memref<8192xf32, #tpu.memory_space<vmem>> -> memref<2048xf32, #tpu.memory_space<vmem>>
      tpu.wait_dma2 semaphore(%arg26 : memref<!tpu.dma_semaphore, #tpu.memory_space<semaphore_mem>>) src(%dma_wait3A_352 : memref<2048xf32, #tpu.memory_space<vmem>>) dst(%dma_wait3A_351 : memref<2048xf32, #tpu.memory_space<hbm>>)
      %add3A_353 = arith.constant 64 : i32
      %add3A_354 = arith.addi %add3A_353, %add3A : i32
      %mul3A_355 = arith.constant 2048 : i32
      %mul3A_356 = arith.muli %scan3A_274, %mul3A_355 : i32
      %mul3A_357 = arith.constant 2048 : i32
      %mul3A_358 = arith.muli %scan3A_274, %mul3A_357 : i32
      %dma_wait3A_359 = arith.constant 0 : i32
      %dma_wait3A_360 = tpu.memref_slice %arg14[%mul3A_356] : memref<8192xf32, #tpu.memory_space<vmem>> -> memref<2048xf32, #tpu.memory_space<vmem>>
      %dma_wait3A_361 = tpu.memref_slice %arg4[%dma_wait3A_359, %add3A_354, %mul3A_358] : memref<3x128x8192xf32, #tpu.memory_space<hbm>> -> memref<1x1x2048xf32, #tpu.memory_space<hbm>>
      %dma_wait3A_362 = tpu.memref_squeeze %dma_wait3A_361 : memref<1x1x2048xf32, #tpu.memory_space<hbm>> -> memref<2048xf32, #tpu.memory_space<hbm>>
      %dma_wait3A_363 = tpu.memref_slice %arg4[%dma_wait3A_359, %add3A_354, %mul3A_358] : memref<3x128x8192xf32, #tpu.memory_space<hbm>> -> memref<1x1x2048xf32, #tpu.memory_space<hbm>>
      %dma_wait3A_364 = tpu.memref_squeeze %dma_wait3A_363 : memref<1x1x2048xf32, #tpu.memory_space<hbm>> -> memref<2048xf32, #tpu.memory_space<hbm>>
      %dma_wait3A_365 = tpu.memref_slice %arg14[%mul3A_356] : memref<8192xf32, #tpu.memory_space<vmem>> -> memref<2048xf32, #tpu.memory_space<vmem>>
      tpu.wait_dma2 semaphore(%arg26 : memref<!tpu.dma_semaphore, #tpu.memory_space<semaphore_mem>>) src(%dma_wait3A_365 : memref<2048xf32, #tpu.memory_space<vmem>>) dst(%dma_wait3A_364 : memref<2048xf32, #tpu.memory_space<hbm>>)
      %add3A_366 = arith.constant 64 : i32
      %add3A_367 = arith.addi %add3A_366, %add3A : i32
      %mul3A_368 = arith.constant 2048 : i32
      %mul3A_369 = arith.muli %scan3A_274, %mul3A_368 : i32
      %mul3A_370 = arith.constant 2048 : i32
      %mul3A_371 = arith.muli %scan3A_274, %mul3A_370 : i32
      %dma_wait3A_372 = arith.constant 1 : i32
      %dma_wait3A_373 = tpu.memref_slice %arg15[%mul3A_369] : memref<8192xf32, #tpu.memory_space<vmem>> -> memref<2048xf32, #tpu.memory_space<vmem>>
      %dma_wait3A_374 = tpu.memref_slice %arg4[%dma_wait3A_372, %add3A_367, %mul3A_371] : memref<3x128x8192xf32, #tpu.memory_space<hbm>> -> memref<1x1x2048xf32, #tpu.memory_space<hbm>>
      %dma_wait3A_375 = tpu.memref_squeeze %dma_wait3A_374 : memref<1x1x2048xf32, #tpu.memory_space<hbm>> -> memref<2048xf32, #tpu.memory_space<hbm>>
      %dma_wait3A_376 = tpu.memref_slice %arg4[%dma_wait3A_372, %add3A_367, %mul3A_371] : memref<3x128x8192xf32, #tpu.memory_space<hbm>> -> memref<1x1x2048xf32, #tpu.memory_space<hbm>>
      %dma_wait3A_377 = tpu.memref_squeeze %dma_wait3A_376 : memref<1x1x2048xf32, #tpu.memory_space<hbm>> -> memref<2048xf32, #tpu.memory_space<hbm>>
      %dma_wait3A_378 = tpu.memref_slice %arg15[%mul3A_369] : memref<8192xf32, #tpu.memory_space<vmem>> -> memref<2048xf32, #tpu.memory_space<vmem>>
      tpu.wait_dma2 semaphore(%arg26 : memref<!tpu.dma_semaphore, #tpu.memory_space<semaphore_mem>>) src(%dma_wait3A_378 : memref<2048xf32, #tpu.memory_space<vmem>>) dst(%dma_wait3A_377 : memref<2048xf32, #tpu.memory_space<hbm>>)
      %add3A_379 = arith.constant 64 : i32
      %add3A_380 = arith.addi %add3A_379, %add3A : i32
      %mul3A_381 = arith.constant 2048 : i32
      %mul3A_382 = arith.muli %scan3A_274, %mul3A_381 : i32
      %mul3A_383 = arith.constant 2048 : i32
      %mul3A_384 = arith.muli %scan3A_274, %mul3A_383 : i32
      %dma_wait3A_385 = arith.constant 2 : i32
      %dma_wait3A_386 = tpu.memref_slice %arg16[%mul3A_382] : memref<8192xf32, #tpu.memory_space<vmem>> -> memref<2048xf32, #tpu.memory_space<vmem>>
      %dma_wait3A_387 = tpu.memref_slice %arg4[%dma_wait3A_385, %add3A_380, %mul3A_384] : memref<3x128x8192xf32, #tpu.memory_space<hbm>> -> memref<1x1x2048xf32, #tpu.memory_space<hbm>>
      %dma_wait3A_388 = tpu.memref_squeeze %dma_wait3A_387 : memref<1x1x2048xf32, #tpu.memory_space<hbm>> -> memref<2048xf32, #tpu.memory_space<hbm>>
      %dma_wait3A_389 = tpu.memref_slice %arg4[%dma_wait3A_385, %add3A_380, %mul3A_384] : memref<3x128x8192xf32, #tpu.memory_space<hbm>> -> memref<1x1x2048xf32, #tpu.memory_space<hbm>>
      %dma_wait3A_390 = tpu.memref_squeeze %dma_wait3A_389 : memref<1x1x2048xf32, #tpu.memory_space<hbm>> -> memref<2048xf32, #tpu.memory_space<hbm>>
      %dma_wait3A_391 = tpu.memref_slice %arg16[%mul3A_382] : memref<8192xf32, #tpu.memory_space<vmem>> -> memref<2048xf32, #tpu.memory_space<vmem>>
      tpu.wait_dma2 semaphore(%arg26 : memref<!tpu.dma_semaphore, #tpu.memory_space<semaphore_mem>>) src(%dma_wait3A_391 : memref<2048xf32, #tpu.memory_space<vmem>>) dst(%dma_wait3A_390 : memref<2048xf32, #tpu.memory_space<hbm>>)
      %add3A_392 = arith.constant 96 : i32
      %add3A_393 = arith.addi %add3A_392, %add3A : i32
      %mul3A_394 = arith.constant 2048 : i32
      %mul3A_395 = arith.muli %scan3A_274, %mul3A_394 : i32
      %mul3A_396 = arith.constant 2048 : i32
      %mul3A_397 = arith.muli %scan3A_274, %mul3A_396 : i32
      %dma_wait3A_398 = arith.constant 0 : i32
      %dma_wait3A_399 = tpu.memref_slice %arg17[%mul3A_395] : memref<8192xf32, #tpu.memory_space<vmem>> -> memref<2048xf32, #tpu.memory_space<vmem>>
      %dma_wait3A_400 = tpu.memref_slice %arg4[%dma_wait3A_398, %add3A_393, %mul3A_397] : memref<3x128x8192xf32, #tpu.memory_space<hbm>> -> memref<1x1x2048xf32, #tpu.memory_space<hbm>>
      %dma_wait3A_401 = tpu.memref_squeeze %dma_wait3A_400 : memref<1x1x2048xf32, #tpu.memory_space<hbm>> -> memref<2048xf32, #tpu.memory_space<hbm>>
      %dma_wait3A_402 = tpu.memref_slice %arg4[%dma_wait3A_398, %add3A_393, %mul3A_397] : memref<3x128x8192xf32, #tpu.memory_space<hbm>> -> memref<1x1x2048xf32, #tpu.memory_space<hbm>>
      %dma_wait3A_403 = tpu.memref_squeeze %dma_wait3A_402 : memref<1x1x2048xf32, #tpu.memory_space<hbm>> -> memref<2048xf32, #tpu.memory_space<hbm>>
      %dma_wait3A_404 = tpu.memref_slice %arg17[%mul3A_395] : memref<8192xf32, #tpu.memory_space<vmem>> -> memref<2048xf32, #tpu.memory_space<vmem>>
      tpu.wait_dma2 semaphore(%arg26 : memref<!tpu.dma_semaphore, #tpu.memory_space<semaphore_mem>>) src(%dma_wait3A_404 : memref<2048xf32, #tpu.memory_space<vmem>>) dst(%dma_wait3A_403 : memref<2048xf32, #tpu.memory_space<hbm>>)
      %add3A_405 = arith.constant 96 : i32
      %add3A_406 = arith.addi %add3A_405, %add3A : i32
      %mul3A_407 = arith.constant 2048 : i32
      %mul3A_408 = arith.muli %scan3A_274, %mul3A_407 : i32
      %mul3A_409 = arith.constant 2048 : i32
      %mul3A_410 = arith.muli %scan3A_274, %mul3A_409 : i32
      %dma_wait3A_411 = arith.constant 1 : i32
      %dma_wait3A_412 = tpu.memref_slice %arg18[%mul3A_408] : memref<8192xf32, #tpu.memory_space<vmem>> -> memref<2048xf32, #tpu.memory_space<vmem>>
      %dma_wait3A_413 = tpu.memref_slice %arg4[%dma_wait3A_411, %add3A_406, %mul3A_410] : memref<3x128x8192xf32, #tpu.memory_space<hbm>> -> memref<1x1x2048xf32, #tpu.memory_space<hbm>>
      %dma_wait3A_414 = tpu.memref_squeeze %dma_wait3A_413 : memref<1x1x2048xf32, #tpu.memory_space<hbm>> -> memref<2048xf32, #tpu.memory_space<hbm>>
      %dma_wait3A_415 = tpu.memref_slice %arg4[%dma_wait3A_411, %add3A_406, %mul3A_410] : memref<3x128x8192xf32, #tpu.memory_space<hbm>> -> memref<1x1x2048xf32, #tpu.memory_space<hbm>>
      %dma_wait3A_416 = tpu.memref_squeeze %dma_wait3A_415 : memref<1x1x2048xf32, #tpu.memory_space<hbm>> -> memref<2048xf32, #tpu.memory_space<hbm>>
      %dma_wait3A_417 = tpu.memref_slice %arg18[%mul3A_408] : memref<8192xf32, #tpu.memory_space<vmem>> -> memref<2048xf32, #tpu.memory_space<vmem>>
      tpu.wait_dma2 semaphore(%arg26 : memref<!tpu.dma_semaphore, #tpu.memory_space<semaphore_mem>>) src(%dma_wait3A_417 : memref<2048xf32, #tpu.memory_space<vmem>>) dst(%dma_wait3A_416 : memref<2048xf32, #tpu.memory_space<hbm>>)
      %add3A_418 = arith.constant 96 : i32
      %add3A_419 = arith.addi %add3A_418, %add3A : i32
      %mul3A_420 = arith.constant 2048 : i32
      %mul3A_421 = arith.muli %scan3A_274, %mul3A_420 : i32
      %mul3A_422 = arith.constant 2048 : i32
      %mul3A_423 = arith.muli %scan3A_274, %mul3A_422 : i32
      %dma_wait3A_424 = arith.constant 2 : i32
      %dma_wait3A_425 = tpu.memref_slice %arg19[%mul3A_421] : memref<8192xf32, #tpu.memory_space<vmem>> -> memref<2048xf32, #tpu.memory_space<vmem>>
      %dma_wait3A_426 = tpu.memref_slice %arg4[%dma_wait3A_424, %add3A_419, %mul3A_423] : memref<3x128x8192xf32, #tpu.memory_space<hbm>> -> memref<1x1x2048xf32, #tpu.memory_space<hbm>>
      %dma_wait3A_427 = tpu.memref_squeeze %dma_wait3A_426 : memref<1x1x2048xf32, #tpu.memory_space<hbm>> -> memref<2048xf32, #tpu.memory_space<hbm>>
      %dma_wait3A_428 = tpu.memref_slice %arg4[%dma_wait3A_424, %add3A_419, %mul3A_423] : memref<3x128x8192xf32, #tpu.memory_space<hbm>> -> memref<1x1x2048xf32, #tpu.memory_space<hbm>>
      %dma_wait3A_429 = tpu.memref_squeeze %dma_wait3A_428 : memref<1x1x2048xf32, #tpu.memory_space<hbm>> -> memref<2048xf32, #tpu.memory_space<hbm>>
      %dma_wait3A_430 = tpu.memref_slice %arg19[%mul3A_421] : memref<8192xf32, #tpu.memory_space<vmem>> -> memref<2048xf32, #tpu.memory_space<vmem>>
      tpu.wait_dma2 semaphore(%arg26 : memref<!tpu.dma_semaphore, #tpu.memory_space<semaphore_mem>>) src(%dma_wait3A_430 : memref<2048xf32, #tpu.memory_space<vmem>>) dst(%dma_wait3A_429 : memref<2048xf32, #tpu.memory_space<hbm>>)
    }
    %scan3A_273 = arith.constant 4 : i32
    return
  }
}

</mosaic_0001>

<sc_bundles>
// kernel: kernel.3.cloned.1.call-start
scs
__scs_entry_jumppad:
0x0: {  	(pc) =	sbr.rel $0x88, $3  }
0x1: {  	(tag) =	ssettag $0x0;
	lr =	simm.s32 $0x1  }
0x2: {  	[smem:$0x3F9F] =	sst lr;
	_ =	strace $0xD0000000  }
0x3: {  	_ = 	snop  }
0x4: {  	_ = 	snop  }
0x5: {  	_ = 	snop  }
0x6: {  	_ = 	snop  }
0x7: {  	_ = 	snop  }
__scs_overlays_trampoline_lowered:
0x8: {  	[smem:$0x3FAE] =	sst s0  }
0x9: {  	[smem:$0x3FAF] =	sst s1  }
0xa: {  	[smem:$0x3FB0] =	sst s2  }
0xb: {  	[smem:$0x3FB1] =	sst s3  }
0xc: {  	[smem:$0x3FB2] =	sst s4  }
0xd: {  	[smem:$0x3FB3] =	sst s5  }
0xe: {  	[smem:$0x3FB4] =	sst s6  }
0xf: {  	[smem:$0x3FB5] =	sst s7  }
0x10: {  	[smem:$0x3FB6] =	sst s8  }
0x11: {  	[smem:$0x3FB7] =	sst s9;
	s0 =	simm.s32 @!p0 $0x0  }
0x12: {  	s1 =	sld [smem:$0x3F9D];
	s0 =	simm.s32 @p0 $0x1  }
0x13: {  	[smem:$0x3FB8] =	sst s0;
	s0 =	simm.s32 @!p1 $0x0  }
0x14: {  	s2 =	sld [smem:$0x3F9C];
	s0 =	simm.s32 @p1 $0x1  }
0x15: {  	[smem:$0x3FB9] =	sst s0;
	s0 =	simm.s32 @!p2 $0x0  }
0x16: {  	s3 =	sld [smem:$0x3FDB];
	s0 =	simm.s32 @p2 $0x1  }
0x17: {  	s4 =	simm.s32 $0x1BF5;
	[smem:$0x3FBB] =	sst s0  }
0x18: {  	s0 =	sld [smem:$0x3F9E];
	_ =	swait.ge [sflag:s4], $0x0  }
0x19: {  	s7 =	sld [smem:$0x3F9F]  }
0x1a: {  	s8 =	sadd.s32 $0xFFFFE003, lr  }
0x1b: {  	s9 =	sadd.s32 $0xFFFFFEF7, lr;
	s5 =	simm.s32 $0xFFFFFFFF;
	p2 =	slt.u32 s8, $0xFFFFF086  }
0x1c: {  	p1 =	slt.u32 s9, $0xF7A;
	s5 =	simm.s32 @!p2 $0x0  }
0x1d: {  	s5 =	simm.s32 @p1 $0x1;
	p0 =	seq.s32 s7, s2  }
0x1e: {  	s7 =	smul.u32 @!p0 $0xF7A, s2;
	p2 =	seq.s32 @!p0 s5, $0x0  }
0x1f: {  	s9 =	smul.u32 $0xF7A, s1;
	s8 =	simm.s32 @!p0 $0x1BF5;
	p2 =	por !p2, p0  }
0x20: {  	[sflag:s8] =	ssyncset.s32 @!p0 $0xFFFFF086;
	s6 =	sadd.s32 @!p0 s3, s7;
	s7 =	simm.s32 @!p0 $0x108  }
0x21: {  	s3 =	sadd.s32 s3, s9;
	s6 =	sadd.s32 @!p0 $0x88, s6;
	s7 =	simm.s32 @p2 $0x1082  }
0x22: {  	[simem:s7], [sflag:s8] =	dma.local @!p0 [hbm:s6], $0xF7A  }
0x23: {  	s9 =	sor.u32 $0xD0000000, s2;
	s6 =	simm.s32 $0x108;
	_ =	swait.ge @!p0 [sflag:s8], $0x0  }
0x24: {  	s3 =	sadd.s32 $0x88, s3;
	s6 =	simm.s32 @!p1 $0x1082;
	[sflag:s4] =	ssyncset.s32 $0xFFFFF086  }
0x25: {  	[simem:s6], [sflag:s4] =	dma.local [hbm:s3], $0xF7A  }
0x26: {  	[smem:$0x3F9F] =	sst s1;
	(tag) =	ssettag s2;
	_ =	strace s9  }
0x27: {  	s1 =	sld [smem:$0x3FAF]  }
0x28: {  	s2 =	sld [smem:$0x3FB0]  }
0x29: {  	s4 =	sld [smem:$0x3FB2]  }
0x2a: {  	p0 =	seq.s32 s5, $0x0;
	s5 =	sld [smem:$0x3FB3]  }
0x2b: {  	s6 =	sld [smem:$0x3FB4]  }
0x2c: {  	s7 =	sld [smem:$0x3FB5]  }
0x2d: {  	s3 =	simm.s32 $0x108;
	s8 =	sld [smem:$0x3FB6]  }
0x2e: {  	s3 =	simm.s32 @!p0 $0x1082;
	s9 =	sld [smem:$0x3FB7]  }
0x2f: {  	lr =	sadd.s32 s0, s3;
	s0 =	sld [smem:$0x3FAE]  }
0x30: {  	s3 =	sld [smem:$0x3FB1]  }
0x31: {  	[smem:$0x3FBA] =	sst s10  }
0x32: {  	s10 =	sld [smem:$0x3FB8];
	_ =	sdelay $0x3  }
0x33: {  	p0 =	seq.s32 s10, $0x1;
	s10 =	sld [smem:$0x3FBA];
	_ =	sdelay $0x3  }
0x34: {  	[smem:$0x3FBA] =	sst s10  }
0x35: {  	s10 =	sld [smem:$0x3FB9];
	_ =	sdelay $0x3  }
0x36: {  	p1 =	seq.s32 s10, $0x1;
	s10 =	sld [smem:$0x3FBA];
	_ =	sdelay $0x3  }
0x37: {  	[smem:$0x3FBA] =	sst s10  }
0x38: {  	s10 =	sld [smem:$0x3FBB]  }
0x39: {  	_ = 	snop;
	(pc) =	sbr.ind lr, $3  }
0x3a: {  	_ = 	snop  }
0x3b: {  	_ = 	snop  }
0x3c: {  	p2 =	seq.s32 s10, $0x1;
	s10 =	sld [smem:$0x3FBA]  }
0x3d: {  	_ =	shalt  }
0x3e: {  	_ =	shalt  }
0x3f: {  	_ =	shalt  }
0x40: {  	_ =	shalt  }
0x41: {  	_ =	shalt  }
0x42: {  	_ =	shalt  }
0x43: {  	_ =	shalt  }
0x44: {  	_ =	shalt  }
0x45: {  	_ =	shalt  }
0x46: {  	_ =	shalt  }
0x47: {  	_ =	shalt  }
0x48: {  	_ =	shalt  }
0x49: {  	_ =	shalt  }
0x4a: {  	_ =	shalt  }
0x4b: {  	_ =	shalt  }
0x4c: {  	_ =	shalt  }
0x4d: {  	_ =	shalt  }
0x4e: {  	_ =	shalt  }
0x4f: {  	_ =	shalt  }
0x50: {  	_ =	shalt  }
0x51: {  	_ =	shalt  }
0x52: {  	_ =	shalt  }
0x53: {  	_ =	shalt  }
0x54: {  	_ =	shalt  }
0x55: {  	_ =	shalt  }
0x56: {  	_ =	shalt  }
0x57: {  	_ =	shalt  }
0x58: {  	_ =	shalt  }
0x59: {  	_ =	shalt  }
0x5a: {  	_ =	shalt  }
0x5b: {  	_ =	shalt  }
0x5c: {  	_ =	shalt  }
0x5d: {  	_ =	shalt  }
0x5e: {  	_ =	shalt  }
0x5f: {  	_ =	shalt  }
0x60: {  	_ =	shalt  }
0x61: {  	_ =	shalt  }
0x62: {  	_ =	shalt  }
0x63: {  	_ =	shalt  }
0x64: {  	_ =	shalt  }
0x65: {  	_ =	shalt  }
0x66: {  	_ =	shalt  }
0x67: {  	_ =	shalt  }
0x68: {  	_ =	shalt  }
0x69: {  	_ =	shalt  }
0x6a: {  	_ =	shalt  }
0x6b: {  	_ =	shalt  }
0x6c: {  	_ =	shalt  }
0x6d: {  	_ =	shalt  }
0x6e: {  	_ =	shalt  }
0x6f: {  	_ =	shalt  }
0x70: {  	_ =	shalt  }
0x71: {  	_ =	shalt  }
0x72: {  	_ =	shalt  }
0x73: {  	_ =	shalt  }
0x74: {  	_ =	shalt  }
0x75: {  	_ =	shalt  }
0x76: {  	_ =	shalt  }
0x77: {  	_ =	shalt  }
0x78: {  	_ =	shalt  }
0x79: {  	_ =	shalt  }
0x7a: {  	_ =	shalt  }
0x7b: {  	_ =	shalt  }
0x7c: {  	_ =	shalt  }
0x7d: {  	_ =	shalt  }
0x7e: {  	_ =	shalt  }
0x7f: {  	_ =	shalt  }
0x80: {  	_ =	shalt  }
0x81: {  	_ =	shalt  }
0x82: {  	_ =	shalt  }
0x83: {  	_ =	shalt  }
0x84: {  	_ =	shalt  }
0x85: {  	_ =	shalt  }
0x86: {  	_ =	shalt  }
0x87: {  	_ =	shalt  }
.Lfunc_end0:
.L_simem_size_0:
called_computation_lowered:
.L_overlay_start_0:
0x88: {  	s2 =	sld [smem:$0x3FD9]  }
0x89: {  	s3 =	sld [smem:$0x3FFE];
	_ =	sdelay $0x1  }
0x8a: {  	s1 =	srdreg.scid  }
0x8b: {  	s0 =	sand.u32 $0x1, s1  }
0x8c: {  	s17 =	sshll.u32 s0, $0xA;
	s2 =	sadd.s32 s3, s2  }
0x8d: {  	s2 =	sadd.s32 s2, s17  }
0x8e: {  	[smem:$0x3FC6] =	sst s2  }
0x8f: {  	_ = 	snop  }
0x90: {  	s2 =	sld [smem:$0x3FC8]  }
0x91: {  	s18 =	sld [smem:$0x3FD0];
	(tm) =	ssettm $0x1  }
0x92: {  	s4 =	sld [smem:$0x3FFB];
	_ =	sdelay $0x3  }
0x93: {  	_ =	strace s4  }
0x94: {  	s4 =	sld [smem:$0x3FFC];
	_ =	sdelay $0x3  }
0x95: {  	_ =	strace s4  }
0x96: {  	s4 =	sld [smem:$0x3FFD];
	_ =	sdelay $0x3  }
0x97: {  	_ =	strace s4  }
0x98: {  	_ =	strace $0x8FFFFFFF  }
0x99: {  	s19 =	sld [smem:$0x3FDB];
	_ =	sdelay $0x1  }
0x9a: {  	s5 =	simm.s32 $_scs_section_size  }
0x9b: {  	s6 =	simm.s32 $_size__tile_overlayer_lowered;
	s7 =	simm.s32 $_tile_overlayer_lowered  }
0x9c: {  	s22 =	simm.s32 $0x1BFF;
	s21 =	sshll.u32 s7, $0x1;
	s4 =	sadd.s32 s5, s19  }
0x9d: {  	s8 =	simm.s32 $0x0;
	s20 =	sshll.u32 s6, $0x1;
	s6 =	sadd.s32 s21, s4  }
0x9e: {  	[timem:s8], [sflag:s22] =	dma.local [hbm:s6], s20  }
0x9f: {  	_ =	swait.ge [sflag:s22], s20  }
0xa0: {  	s5 =	ssub.s32 $0x0, s20;
	[sflag:s22] =	ssyncset.done $0x0  }
0xa1: {  	[sflag:s22] =	ssyncadd.s32 s5;
	_ =	sdelay $0x1  }
0xa2: {  	s23 =	simm.s32 $0x1B8B  }
0xa3: {  	_ =	swait.ge [sflag:s23], $0x1  }
0xa4: {  	[sflag:s23] =	ssyncset.done $0x0  }
0xa5: {  	s25 =	simm.s32 $0x1B8E;
	s24 =	sld [smem:$0x3FFE];
	[sflag:s23] =	ssyncadd.s32 $0xFFFFFFFF  }
0xa6: {  	s26 =	simm.s32 $execute0_lowered;
	[smem:$0x3FD2] =	sst s25  }
0xa7: {  	s6 =	sshll.u32 s26, $0x1;
	_ =	strace $0x80000046;
	[dreg:$0x1] =	wrdreg $0xFFFFFFFF  }
0xa8: {  	s28 =	simm.s32 $_size_execute0_lowered;
	s4 =	sadd.s32 s4, s6;
	[dreg:$0x0] =	wrdreg $0x0  }
0xa9: {  	s6 =	sshll.u32 s28, $0x1;
	[dreg:$0x2] =	wrdreg s4  }
0xaa: {  	[dreg:$0x3] =	wrdreg s6  }
0xab: {  	[dreg:$0x4] =	wrdreg $0xC0  }
0xac: {  	_ =	task [dreg:s8], $0x5FFFF  }
0xad: {  	[dreg:$0x1] =	wrdreg $0xFFFFFFFF  }
0xae: {  	[dreg:$0x0] =	wrdreg $0x60  }
0xaf: {  	[dreg:$0x2] =	wrdreg s2  }
0xb0: {  	[dreg:$0x3] =	wrdreg s24  }
0xb1: {  	[dreg:$0x4] =	wrdreg s18  }
0xb2: {  	[dreg:$0x5] =	wrdreg $0x9  }
0xb3: {  	_ =	task.clear_ibuf [dreg:s8], $0x6FFFF;
	_ =	strace $0x90000046  }
0xb4: {  	s29 =	simm.s32 $0x9;
	_ =	strace $0x80000048  }
0xb5: {  	_ =	swait.ge [sflag:s29], $0x1  }
0xb6: {  	[sflag:s29] =	ssyncadd.s32 $0xFFFFFFFF  }
0xb7: {  	_ =	strace $0x90000048  }
0xb8: {  	_ =	sfence  }
0xb9: {  	s30 =	sld [smem:$0x0];
	_ =	sdelay $0x2  }
0xba: {  	s31 =	sshll.u32 s1, $0xD;
	s1 =	sshrl.u32 s1, $0x2  }
0xbb: {  	s3 =	sand.u32 $0x4000, s31;
	s1 =	sadd.s32 s1, s30  }
0xbc: {  	s0 =	sor.u32 s3, s0;
	s1 =	sshll.u32 s1, $0x11  }
0xbd: {  	s0 =	sor.u32 s1, s0  }
0xbe: {  	s0 =	sadd.s32 $0x8F2B, s0  }
0xbf: {  	[sflag:s0] =	ssyncadd.remote.s32 $0x1  }
0xc0: {  	_ =	sfence.sel $0xFFFF  }
0xc1: {  	[dreg:$0x0] =	wrdreg $0xFFFFFFFF;
	(pc) =	sbr.abs _section_cstart, $3  }
0xc2: {  	[dreg:$0x1] =	wrdreg $0xFFFFFFFF  }
0xc3: {  	_ =	task.clear_ibuf [dreg:s8], $0x2FFFF;
	_ =	strace $0x9FFFFFFF  }
0xc4: {  	(tm) =	ssettm $0x7FFFFFFF  }
0xc5: {  	_ =	shalt  }
tec
execute0_lowered:
.L_overlay_start_1:
0x0: {  	(tag) =	ssettag $0x1  }
0x1: {  	s0 =	rddreg [dreg:$0x0]  }
0x2: {  	s2 =	rddreg [dreg:$0x1]  }
0x3: {  	s1 =	rddreg [dreg:$0x2]  }
0x4: {  	s3 =	simm.s32 $0x0;
	s4 =	srdreg.scid;
	s6 =	stileid.u32  }
0x5: {  	s30 =	simm.s32 $0x5000;
	s31 =	simm.s32 $0x1;
	[smem:$0x7FF] =	sst s3  }
0x6: {  	s2 =	sadd.s32 $0x400, s2;
	s4 =	sand.u32 $0x1, s4;
	s5 =	sshll.u32 s6, $0x8  }
0x7: {  	s6 =	sshrl.u32 s6, $0x2;
	_ =	strace $0x80000047;
	s7 =	sshll.u32 s4, $0x7  }
0x8: {  	s5 =	sand.u32 $0x300, s5;
	s21 =	sshll.u32 s6, $0xA;
	s15 =	sor.u32 $0x4, s6  }
0x9: {  	s4 =	ssub.s32 $0x2, s4;
	s16 =	sor.u32 $0x8, s6;
	s19 =	sor.u32 $0xC, s6  }
0xa: {  	s6 =	sshll.u32 s6, $0x10;
	s17 =	sor.u32 s7, s5;
	s22 =	sshll.u32 s15, $0xA  }
0xb: {  	s8 =	sshrl.u32 s4, $0x1;
	s24 =	sshll.u32 s16, $0xA;
	s25 =	sshll.u32 s19, $0xA  }
0xc: {  	s26 =	sshll.u32 s15, $0x10;
	s28 =	sshll.u32 s16, $0x10;
	s29 =	sshll.u32 s19, $0x10  }
0xd: {  	s19 =	simm.s32 $0x0;
	s5 =	sor.u32 s21, s17;
	s7 =	sor.u32 s17, s22  }
0xe: {  	s18 =	ssub.s32 s4, s8;
	s8 =	sor.u32 s17, s25;
	s6 =	sor.u32 s6, s17  }
0xf: {  	s15 =	sor.u32 s17, s26;
	s16 =	sor.u32 s17, s28;
	s5 =	sshrl.u32 s5, $0x3  }
0x10: {  	s23 =	sshrl.u32 s7, $0x3;
	s7 =	sor.u32 s17, s24;
	s8 =	sshrl.u32 s8, $0x3  }
0x11: {  	s9 =	sshrl.u32 s6, $0x3;
	s17 =	sor.u32 s17, s29;
	s18 =	smax.u32 s18, $0x1  }
0x12: {  	s24 =	simm.s32 $0x400;
	s4 =	sadd.s32 s2, s5;
	s5 =	sadd.s32 s2, s23  }
0x13: {  	s7 =	sshrl.u32 s7, $0x3;
	s8 =	sadd.s32 s2, s8;
	s9 =	sadd.s32 s0, s9  }
0x14: {  	s23 =	simm.s32 $0x80;
	s0 =	simm.s32 $0x2;
	s7 =	sadd.s32 s2, s7  }
0x15: {  	s10 =	sadd.s32 $0x8000, s9;
	s11 =	sadd.s32 $0x10000, s9;
	s12 =	sadd.s32 $0x1000, s9  }
0x16: {  	s13 =	sadd.s32 $0x9000, s9;
	s14 =	sadd.s32 $0x11000, s9;
	s2 =	simm.s32 $0x3  }
.LBB2_1:
0x17: {  	s20 =	simm.s32 $0x1E000  }
0x18: {  	[tilespmem:s20], [sflag:$0x1] =	stream.linear.gather [hbm4b:s4+s3], $0x80, $0x38;
	[tilespmem:$0x1E200] =	vst v63  }
0x19: {  	s29 =	simm.s32 $0x1E080  }
0x1a: {  	[tilespmem:s29], [sflag:$0x1] =	stream.linear.gather [hbm4b:s5+s3], $0x80, $0x38;
	[tilespmem:$0x1E200] =	vst v63  }
0x1b: {  	s21 =	simm.s32 $0x1E100  }
0x1c: {  	[tilespmem:s21], [sflag:$0x1] =	stream.linear.gather [hbm4b:s7+s3], $0x80, $0x38;
	[tilespmem:$0x1E200] =	vst v63  }
0x1d: {  	s22 =	simm.s32 $0x1E180  }
0x1e: {  	[tilespmem:s22], [sflag:$0x1] =	stream.linear.gather [hbm4b:s8+s3], $0x80, $0x38;
	[tilespmem:$0x1E200] =	vst v63  }
0x1f: {  	_ = 	snop  }
0x20: {  	[tilespmem:s3], [sflag:$0x2] =	stream.strided.gather [hbm4b:s9+s23], $0x1000, s24, s23, $0x38;
	[tilespmem:$0x1E200] =	vst v63  }
0x21: {  	s25 =	simm.s32 $0x2000  }
0x22: {  	[tilespmem:s25], [sflag:$0x2] =	stream.strided.gather [hbm4b:s10+s23], $0x1000, s24, s23, $0x38;
	[tilespmem:$0x1E200] =	vst v63  }
0x23: {  	s26 =	simm.s32 $0x4000  }
0x24: {  	[tilespmem:s26], [sflag:$0x2] =	stream.strided.gather [hbm4b:s11+s23], $0x1000, s24, s23, $0x38;
	[tilespmem:$0x1E200] =	vst v63  }
0x25: {  	s28 =	simm.s32 $0x1000  }
0x26: {  	[tilespmem:s28], [sflag:$0x2] =	stream.strided.gather [hbm4b:s12+s23], $0x1000, s24, s23, $0x38;
	[tilespmem:$0x1E200] =	vst v63  }
0x27: {  	s29 =	simm.s32 $0x3000  }
0x28: {  	[tilespmem:s29], [sflag:$0x2] =	stream.strided.gather [hbm4b:s13+s23], $0x1000, s24, s23, $0x38;
	[tilespmem:$0x1E200] =	vst v63  }
0x29: {  	_ = 	snop  }
0x2a: {  	[tilespmem:s30], [sflag:$0x2] =	stream.strided.gather [hbm4b:s14+s23], $0x1000, s24, s23, $0x38;
	[tilespmem:$0x1E200] =	vst v63  }
0x2b: {  	_ =	swait.ge [sflag:s31], $0x80  }
0x2c: {  	[sflag:s31] =	ssyncset.done $0x0  }
0x2d: {  	[sflag:s31] =	ssyncadd.s32 $0xFFFFFF80  }
0x2e: {  	_ =	swait.ge [sflag:s31], $0x80  }
0x2f: {  	[sflag:s31] =	ssyncset.done $0x0  }
0x30: {  	[sflag:s31] =	ssyncadd.s32 $0xFFFFFF80  }
0x31: {  	_ =	swait.ge [sflag:s31], $0x80  }
0x32: {  	[sflag:s31] =	ssyncset.done $0x0  }
0x33: {  	[sflag:s31] =	ssyncadd.s32 $0xFFFFFF80  }
0x34: {  	_ =	swait.ge [sflag:s31], $0x80  }
0x35: {  	[sflag:s31] =	ssyncset.done $0x0  }
0x36: {  	[sflag:s31] =	ssyncadd.s32 $0xFFFFFF80  }
0x37: {  	v0 =	vld [tilespmem:$0x1E000];
	_ =	sdelay $0x4  }
0x38: {  	v1 =	vbroadcast v0, $0x0  }
0x39: {  	v44 =	vbroadcast v0, $0x1  }
0x3a: {  	v45 =	vld [tilespmem:$0x1E080];
	v2 =	vbroadcast v0, $0x2;
	v20 =	vbroadcast v0, $0x3;
	[tilespmem:$0x1FDC0] =	vst v1  }
0x3b: {  	v21 =	vbroadcast v0, $0x4;
	v46 =	vbroadcast v0, $0x6;
	[tilespmem:$0x1FDD0] =	vst v44  }
0x3c: {  	v23 =	vbroadcast v0, $0x5;
	v47 =	vbroadcast v0, $0x7;
	[tilespmem:$0x1FDE0] =	vst v2  }
0x3d: {  	v25 =	vbroadcast v0, $0x8;
	v48 =	vbroadcast v0, $0xA;
	[tilespmem:$0x1FDF0] =	vst v46  }
0x3e: {  	v49 =	vld [tilespmem:$0x1E100];
	v28 =	vbroadcast v0, $0x9;
	v0 =	vbroadcast v0, $0xB;
	[tilespmem:$0x1FE00] =	vst v47  }
0x3f: {  	v50 =	vbroadcast v45, $0x3;
	[tilespmem:$0x1FE10] =	vst v48  }
0x40: {  	v51 =	vbroadcast v45, $0x6;
	[tilespmem:$0x1FE20] =	vst v0  }
0x41: {  	v53 =	vbroadcast v45, $0x7;
	[tilespmem:$0x1FE30] =	vst v50  }
0x42: {  	v54 =	vbroadcast v45, $0xA;
	[tilespmem:$0x1FE40] =	vst v51  }
0x43: {  	v56 =	vbroadcast v49, $0x4;
	[tilespmem:$0x1FE50] =	vst v53  }
0x44: {  	[tilespmem:$0x1FE60] =	vst v54  }
0x45: {  	v57 =	vbroadcast v49, $0x7;
	[tilespmem:$0x1FE70] =	vst v56  }
0x46: {  	v55 =	vld [tilespmem:$0x1E180];
	v58 =	vbroadcast v49, $0x8;
	_ =	swait.ge [sflag:s0], $0x1000  }
0x47: {  	v59 =	vbroadcast v49, $0x9;
	[tilespmem:$0x1FE80] =	vst v57  }
0x48: {  	v60 =	vbroadcast v49, $0xA;
	[tilespmem:$0x1FE90] =	vst v58  }
0x49: {  	[sflag:s0] =	ssyncset.done $0x0;
	[tilespmem:$0x1FEA0] =	vst v59  }
0x4a: {  	[tilespmem:$0x1FEB0] =	vst v60;
	[sflag:s0] =	ssyncadd.s32 $0xFFFFF000  }
0x4b: {  	_ =	swait.ge [sflag:s0], $0x1000  }
0x4c: {  	[sflag:s0] =	ssyncset.done $0x0  }
0x4d: {  	v61 =	vbroadcast v55, $0x6;
	[sflag:s0] =	ssyncadd.s32 $0xFFFFF000  }
0x4e: {  	v62 =	vbroadcast v55, $0xA;
	_ =	swait.ge [sflag:s0], $0x1000  }
0x4f: {  	v63 =	vbroadcast v55, $0xB;
	[tilespmem:$0x1FEC0] =	vst v61  }
0x50: {  	v50 =	vbroadcast v55, $0x9;
	[tilespmem:$0x1FED0] =	vst v62  }
0x51: {  	v43 =	vbroadcast v55, $0x8;
	[tilespmem:$0x1FEE0] =	vst v63  }
0x52: {  	v4 =	vbroadcast v45, $0x0;
	[tilespmem:$0x1FEF0] =	vst v50  }
0x53: {  	v52 =	vbroadcast v45, $0x1;
	[tilespmem:$0x1FF00] =	vst v43  }
0x54: {  	v17 =	vbroadcast v45, $0x2;
	[tilespmem:$0x1FF10] =	vst v4  }
0x55: {  	v18 =	vbroadcast v45, $0x4;
	[tilespmem:$0x1FF20] =	vst v52  }
0x56: {  	v26 =	vbroadcast v45, $0x5;
	[tilespmem:$0x1FF30] =	vst v17  }
0x57: {  	v32 =	vbroadcast v45, $0x8;
	[tilespmem:$0x1FF40] =	vst v18  }
0x58: {  	v35 =	vbroadcast v45, $0x9;
	[tilespmem:$0x1FF50] =	vst v26  }
0x59: {  	v36 =	vbroadcast v49, $0x0;
	[tilespmem:$0x1FF60] =	vst v32  }
0x5a: {  	v19 =	vbroadcast v49, $0x1;
	[tilespmem:$0x1FF70] =	vst v35  }
0x5b: {  	v47 =	vbroadcast v45, $0xB;
	[tilespmem:$0x1FF80] =	vst v36  }
0x5c: {  	v14 =	vbroadcast v49, $0x2;
	[tilespmem:$0x1FF90] =	vst v19  }
0x5d: {  	v44 =	vbroadcast v49, $0x3;
	[tilespmem:$0x1FFA0] =	vst v47  }
0x5e: {  	v39 =	vbroadcast v49, $0x5;
	v27 =	vbroadcast v55, $0x0;
	[tilespmem:$0x1FFB0] =	vst v14  }
0x5f: {  	v31 =	vbroadcast v55, $0x1;
	v45 =	vbroadcast v49, $0x6;
	[tilespmem:$0x1FFC0] =	vst v44  }
0x60: {  	v33 =	vbroadcast v55, $0x2;
	v34 =	vbroadcast v55, $0x3;
	[tilespmem:$0x1FFD0] =	vst v39  }
0x61: {  	v37 =	vbroadcast v55, $0x4;
	v38 =	vbroadcast v55, $0x5;
	[sflag:s0] =	ssyncset.done $0x0;
	[tilespmem:$0x1FFE0] =	vst v45  }
0x62: {  	s20 =	simm.s32 $0x0;
	s21 =	simm.s32 $0x0;
	v41 =	vbroadcast v55, $0x7;
	v51 =	vbroadcast v49, $0xB;
	[tilespmem:$0x1FFF0] =	vst v27;
	[sflag:s0] =	ssyncadd.s32 $0xFFFFF000  }
.LBB2_2:
0x63: {  	p0 =	sne.s32 s21, $0x2  }
0x64: {  	s22 =	simm.s32 @!p0 $0x2  }
0x65: {  	_ =	swait.ge @!p0 [sflag:s22], $0x1000  }
0x66: {  	[sflag:s22] =	ssyncset.done @!p0 $0x0  }
0x67: {  	[sflag:s22] =	ssyncadd.s32 @!p0 $0xFFFFF000  }
0x68: {  	_ =	swait.ge @!p0 [sflag:s22], $0x1000  }
0x69: {  	[sflag:s22] =	ssyncset.done @!p0 $0x0  }
0x6a: {  	[sflag:s22] =	ssyncadd.s32 @!p0 $0xFFFFF000  }
0x6b: {  	_ =	swait.ge @!p0 [sflag:s22], $0x1000  }
0x6c: {  	[sflag:s22] =	ssyncset.done @!p0 $0x0  }
0x6d: {  	[sflag:s22] =	ssyncadd.s32 @!p0 $0xFFFFF000;
	s22 =	sshra.s32 s20, $0x2  }
0x6e: {  	v48 =	vld [tilespmem:s22+$0x2000]  }
0x6f: {  	v49 =	vld [tilespmem:s22+$0x0];
	_ =	sdelay $0x1  }
0x70: {  	v30 =	vld [tilespmem:$0x1FEA0]  }
0x71: {  	v13 =	vld [tilespmem:$0x1FE70]  }
0x72: {  	v40 =	vld [tilespmem:$0x1FE90]  }
0x73: {  	v22 =	vld [tilespmem:$0x1FDE0];
	v1 =	vmul.f32 v49, v4;
	v2 =	vmul.f32 v48, v28  }
0x74: {  	v9 =	vld [tilespmem:s22+$0x2010];
	v3 =	vmul.f32 v49, v18;
	v4 =	vmul.f32 v49, v25  }
0x75: {  	v53 =	vld [tilespmem:s22+$0x10];
	v5 =	vmul.f32 v48, v52;
	v7 =	vmul.f32 v48, v26  }
0x76: {  	v55 =	vld [tilespmem:s22+$0x4010];
	v8 =	vmul.f32 v48, v35;
	v10 =	vmul.f32 v49, v36  }
0x77: {  	v11 =	vmul.f32 v48, v19;
	v12 =	vmul.f32 v48, v39;
	v3 =	vadd.f32 v7, v3;
	v7 =	vld [tilespmem:$0x1FDC0]  }
0x78: {  	v54 =	vmul.f32 v48, v30;
	v56 =	vmul.f32 v49, v13  }
0x79: {  	v58 =	vmul.f32 v48, v31;
	v63 =	vmul.f32 v48, v50;
	v1 =	vadd.f32 v5, v1;
	[tilespmem:$0x1FD70] =	vst v3  }
0x7a: {  	v13 =	vmov v50;
	v60 =	vmul.f32 v53, v37;
	v3 =	vmul.f32 v49, v40;
	v50 =	vld [tilespmem:s22+$0x4000]  }
0x7b: {  	v62 =	vmul.f32 v9, v28;
	[tilespmem:$0x1FDA0] =	vst v1;
	v1 =	vmul.f32 v55, v22  }
0x7c: {  	v59 =	vadd.f32 v54, v3;
	v3 =	vmul.f32 v53, v25;
	v7 =	vmul.f32 v53, v7  }
0x7d: {  	v46 =	vadd.f32 v2, v4;
	v2 =	vmul.f32 v49, v32;
	v4 =	vmul.f32 v48, v38;
	[tilespmem:$0x1FDB0] =	vst v1  }
0x7e: {  	v10 =	vadd.f32 v11, v10;
	v1 =	vmul.f32 v9, v38;
	[tilespmem:$0x1FD90] =	vst v7;
	v7 =	vadd.f32 v62, v3;
	v3 =	vld [tilespmem:$0x1FF10]  }
0x7f: {  	v11 =	vld [tilespmem:$0x1FE80];
	v57 =	vadd.f32 v8, v2;
	v2 =	vmul.f32 v49, v37;
	v61 =	vmul.f32 v50, v14  }
0x80: {  	v8 =	vadd.f32 v12, v56;
	v29 =	vadd.f32 v1, v60;
	v1 =	vmul.f32 v50, v45  }
0x81: {  	v60 =	vadd.f32 v4, v2;
	v4 =	vadd.f32 v61, v10;
	v10 =	vmul.f32 v49, v27  }
0x82: {  	v1 =	vadd.f32 v1, v8  }
0x83: {  	v61 =	vadd.f32 v58, v10;
	v10 =	vmul.f32 v53, v3  }
0x84: {  	v3 =	vmul.f32 v9, v26;
	v11 =	vadd.f32 v1, v11;
	v1 =	vmul.f32 v53, v18;
	_ =	sdelay $0x1  }
0x85: {  	v3 =	vadd.f32 v3, v1;
	v1 =	vld [tilespmem:$0x1FE40]  }
0x86: {  	v12 =	vmul.f32 v49, v43  }
0x87: {  	v16 =	vld [tilespmem:$0x1FDF0]  }
0x88: {  	v5 =	vmul.f32 v9, v13;
	v62 =	vadd.f32 v63, v12;
	v12 =	vmul.f32 v53, v43  }
0x89: {  	v0 =	vmul.f32 v48, v23;
	v6 =	vmul.f32 v49, v21  }
0x8a: {  	v2 =	vmul.f32 v55, v45;
	v54 =	vmul.f32 v55, v1;
	v1 =	vadd.f32 v5, v12;
	v5 =	vld [tilespmem:$0x1FDD0]  }
0x8b: {  	v0 =	vadd.f32 v0, v6;
	v6 =	vmul.f32 v53, v21;
	v8 =	vmul.f32 v9, v23  }
0x8c: {  	[tilespmem:$0x1FD80] =	vst v2;
	v2 =	vmul.f32 v50, v16;
	v12 =	vld [tilespmem:$0x1FD90]  }
0x8d: {  	v6 =	vadd.f32 v8, v6;
	v8 =	vld [tilespmem:$0x1FE10]  }
0x8e: {  	v0 =	vadd.f32 v2, v0;
	v2 =	vadd.f32 v4, v44  }
0x8f: {  	v15 =	vld [tilespmem:$0x1FEB0];
	v5 =	vmul.f32 v9, v5  }
0x90: {  	v13 =	vld [tilespmem:$0x1FE00];
	[tilespmem:s22+$0x12000] =	vst v2  }
0x91: {  	v56 =	vadd.f32 v5, v12;
	v12 =	vld [tilespmem:$0x1FE20]  }
0x92: {  	v8 =	vmul.f32 v55, v8;
	_ =	sdelay $0x1  }
0x93: {  	v5 =	vadd.f32 v8, v7  }
0x94: {  	v0 =	vadd.f32 v0, v13  }
0x95: {  	[tilespmem:s22+$0x14000] =	vst v11;
	v12 =	vadd.f32 v5, v12  }
0x96: {  	v8 =	vmul.f32 v9, v31;
	v11 =	vmul.f32 v53, v27;
	[tilespmem:s22+$0x8000] =	vst v0  }
0x97: {  	v4 =	vmul.f32 v9, v52;
	v18 =	vadd.f32 v54, v3;
	v3 =	vmul.f32 v55, v16;
	[tilespmem:s22+$0xA010] =	vst v12  }
0x98: {  	v0 =	vadd.f32 v8, v11;
	v11 =	vld [tilespmem:$0x1FE30]  }
0x99: {  	v4 =	vadd.f32 v4, v10;
	v10 =	vmul.f32 v55, v17;
	v6 =	vadd.f32 v3, v6  }
0x9a: {  	v30 =	vmul.f32 v9, v30  }
0x9b: {  	v42 =	vmul.f32 v9, v39;
	v4 =	vadd.f32 v10, v4;
	v6 =	vadd.f32 v6, v13  }
0x9c: {  	v10 =	vmul.f32 v53, v36;
	v7 =	vmul.f32 v9, v19  }
0x9d: {  	v32 =	vmul.f32 v53, v32;
	v9 =	vmul.f32 v9, v35;
	v8 =	vld [tilespmem:$0x1FEC0];
	[tilespmem:s22+$0x8010] =	vst v6;
	v11 =	vadd.f32 v4, v11  }
0x9e: {  	v7 =	vadd.f32 v7, v10;
	v4 =	vld [tilespmem:$0x1FDA0]  }
0x9f: {  	v10 =	vmul.f32 v55, v14;
	v2 =	vadd.f32 v9, v32;
	v9 =	vmul.f32 v53, v40;
	[tilespmem:s22+$0xC010] =	vst v11  }
0xa0: {  	v6 =	vld [tilespmem:$0x1FE60]  }
0xa1: {  	v10 =	vadd.f32 v10, v7;
	v7 =	vadd.f32 v30, v9;
	v9 =	vmul.f32 v50, v17;
	_ =	sdelay $0x1  }
0xa2: {  	v8 =	vmul.f32 v55, v8;
	v4 =	vadd.f32 v9, v4;
	v9 =	vadd.f32 v10, v44  }
0xa3: {  	v11 =	vld [tilespmem:$0x1FE50]  }
0xa4: {  	v12 =	vadd.f32 v8, v29;
	v8 =	vmul.f32 v50, v6;
	v6 =	vld [tilespmem:$0x1FDB0];
	[tilespmem:s22+$0x12010] =	vst v9  }
0xa5: {  	v9 =	vld [tilespmem:$0x1FED0];
	_ =	sdelay $0x2  }
0xa6: {  	v63 =	vmul.f32 v50, v22;
	v58 =	vmul.f32 v55, v33  }
0xa7: {  	v3 =	vmul.f32 v50, v15;
	v5 =	vmul.f32 v55, v15;
	v11 =	vadd.f32 v18, v11  }
0xa8: {  	s25 =	sshll.u32 s21, $0xB;
	s26 =	simm.s32 $0x0;
	s28 =	sadd.s32 $0x80, s20;
	v10 =	vadd.f32 v6, v56;
	v6 =	vmul.f32 v50, v33;
	v9 =	vmul.f32 v55, v9  }
.LBB2_3:
0xa9: {  	v16 =	vld [tilespmem:$0x1FDC0]  }
0xaa: {  	v40 =	vld [tilespmem:$0x1FDD0]  }
0xab: {  	[tilespmem:s22+$0xE010] =	vst v11;
	v11 =	vld [tilespmem:$0x1FE60]  }
0xac: {  	v14 =	vld [tilespmem:$0x1FEC0]  }
0xad: {  	v15 =	vld [tilespmem:$0x1FE70]  }
0xae: {  	v32 =	vld [tilespmem:$0x1FE10]  }
0xaf: {  	v45 =	vld [tilespmem:$0x1FEE0]  }
0xb0: {  	v35 =	vld [tilespmem:$0x1FE40]  }
0xb1: {  	v52 =	vld [tilespmem:$0x1FF10]  }
0xb2: {  	v17 =	vld [tilespmem:$0x1FF40]  }
0xb3: {  	v39 =	vld [tilespmem:$0x1FE30]  }
0xb4: {  	v26 =	vld [tilespmem:$0x1FF70]  }
0xb5: {  	v18 =	vld [tilespmem:$0x1FF80]  }
0xb6: {  	s29 =	sshra.s32 s28, $0x2;
	v22 =	vld [tilespmem:$0x1FF90]  }
0xb7: {  	v12 =	vadd.f32 v12, v41;
	v3 =	vadd.f32 v3, v59;
	v59 =	vmul.f32 v48, v40;
	v48 =	vld [tilespmem:s29+$0x2000]  }
0xb8: {  	v19 =	vld [tilespmem:$0x1FEA0];
	v5 =	vadd.f32 v5, v7;
	v1 =	vadd.f32 v9, v1  }
0xb9: {  	v10 =	vadd.f32 v10, v20;
	[tilespmem:s22+$0x1A010] =	vst v12;
	v12 =	vld [tilespmem:$0x1FED0]  }
0xba: {  	v29 =	vmov v51;
	v5 =	vadd.f32 v5, v51;
	v51 =	vld [tilespmem:$0x1FE90];
	v1 =	vadd.f32 v1, v45  }
0xbb: {  	v54 =	vmovc v28;
	v8 =	vadd.f32 v8, v57;
	v0 =	vadd.f32 v58, v0;
	v13 =	vmul.f32 v49, v16;
	v49 =	vld [tilespmem:s29+$0x0]  }
0xbc: {  	v6 =	vadd.f32 v6, v61;
	v43 =	vmul.f32 v50, v14;
	[tilespmem:s22+$0x1C010] =	vst v1;
	v1 =	vmul.f32 v48, v28;
	v28 =	vld [tilespmem:$0x1FE20]  }
0xbd: {  	[tilespmem:s22+$0x6010] =	vst v10;
	v0 =	vadd.f32 v0, v34;
	v8 =	vadd.f32 v8, v47;
	v10 =	vmul.f32 v50, v32;
	v14 =	vld [tilespmem:$0x1FF50]  }
0xbe: {  	v11 =	vmul.f32 v55, v11;
	v12 =	vmul.f32 v50, v12;
	v7 =	vadd.f32 v43, v60;
	v43 =	vld [tilespmem:$0x1FF60]  }
0xbf: {  	v27 =	vmovc v25;
	v9 =	vmul.f32 v53, v15;
	v4 =	vadd.f32 v4, v39;
	v10 =	vadd.f32 v10, v46;
	v46 =	vld [tilespmem:$0x1FEF0]  }
0xc0: {  	[tilespmem:s22+$0x16010] =	vst v5;
	v2 =	vadd.f32 v11, v2;
	v11 =	vadd.f32 v12, v62;
	v12 =	vmul.f32 v50, v35;
	v50 =	vld [tilespmem:s29+$0x4000]  }
0xc1: {  	v3 =	vadd.f32 v3, v29;
	[tilespmem:s22+$0xC000] =	vst v4;
	v4 =	vld [tilespmem:$0x1FD70];
	v44 =	vmul.f32 v49, v17;
	v10 =	vadd.f32 v10, v28  }
0xc2: {  	v9 =	vadd.f32 v42, v9;
	[tilespmem:s22+$0x10000] =	vst v8;
	v5 =	vmul.f32 v49, v25;
	v25 =	vld [tilespmem:$0x1FF20];
	v36 =	vmul.f32 v48, v14  }
0xc3: {  	v2 =	vadd.f32 v2, v47;
	v8 =	vadd.f32 v59, v13;
	[tilespmem:s22+$0xA000] =	vst v10;
	v10 =	vld [tilespmem:$0x1FD80]  }
0xc4: {  	v30 =	vmov v20;
	[tilespmem:s22+$0x16000] =	vst v3;
	v3 =	vadd.f32 v6, v34;
	v13 =	vadd.f32 v36, v44;
	v36 =	vld [tilespmem:$0x1FE50]  }
0xc5: {  	v7 =	vadd.f32 v7, v41;
	v47 =	vld [tilespmem:$0x1FE80];
	v61 =	vmul.f32 v48, v23;
	v56 =	vmul.f32 v49, v52;
	[tilespmem:s22+$0x10010] =	vst v2  }
0xc6: {  	v60 =	vmul.f32 v49, v18;
	v8 =	vadd.f32 v63, v8;
	[tilespmem:s22+$0x18000] =	vst v3;
	v3 =	vadd.f32 v11, v45;
	v45 =	vld [tilespmem:$0x1FDF0]  }
0xc7: {  	v24 =	vmovc v23;
	v59 =	vmul.f32 v48, v19;
	v20 =	vadd.f32 v1, v5;
	v5 =	vld [tilespmem:s29+$0x2010];
	v4 =	vadd.f32 v12, v4  }
0xc8: {  	v23 =	vmovc v21;
	v58 =	vmul.f32 v48, v38;
	v44 =	vld [tilespmem:$0x1FFD0];
	v8 =	vadd.f32 v8, v30;
	v9 =	vadd.f32 v10, v9  }
0xc9: {  	v42 =	vmul.f32 v49, v51;
	v53 =	vld [tilespmem:s29+$0x10];
	[tilespmem:s22+$0x1C000] =	vst v3;
	v57 =	vmul.f32 v48, v25;
	v4 =	vadd.f32 v4, v36  }
0xca: {  	v6 =	vmul.f32 v49, v37;
	v1 =	vmul.f32 v48, v22;
	v55 =	vld [tilespmem:s29+$0x4010];
	[tilespmem:s22+$0x6000] =	vst v8;
	v8 =	vadd.f32 v9, v47  }
0xcb: {  	v2 =	vmul.f32 v49, v21;
	v12 =	vmul.f32 v48, v26;
	v21 =	vadd.f32 v57, v56;
	v56 =	vld [tilespmem:$0x1FFB0];
	[tilespmem:s22+$0xE000] =	vst v4  }
0xcc: {  	v1 =	vadd.f32 v1, v60;
	v60 =	vmul.f32 v49, v15;
	v15 =	vmul.f32 v48, v46;
	[tilespmem:s22+$0x14010] =	vst v8;
	v8 =	vld [tilespmem:$0x1FFE0]  }
0xcd: {  	v59 =	vadd.f32 v59, v42;
	v3 =	vmul.f32 v50, v45;
	v4 =	vmul.f32 v49, v43;
	[tilespmem:$0x1FD50] =	vst v21;
	v21 =	vld [tilespmem:$0x1FDE0]  }
0xce: {  	v2 =	vadd.f32 v61, v2;
	[tilespmem:$0x1FD70] =	vst v13;
	v13 =	vmul.f32 v48, v44;
	v63 =	vmul.f32 v5, v54  }
0xcf: {  	v57 =	vadd.f32 v12, v4;
	v4 =	vmul.f32 v5, v38;
	v10 =	vmul.f32 v53, v37  }
0xd0: {  	[tilespmem:s22+$0x1A000] =	vst v7;
	v42 =	vmul.f32 v5, v44;
	v7 =	vadd.f32 v13, v60;
	v11 =	vmul.f32 v50, v56  }
0xd1: {  	[tilespmem:s22+$0x18010] =	vst v0;
	v44 =	vld [tilespmem:$0x1FFF0];
	v13 =	vmul.f32 v53, v27;
	v10 =	vadd.f32 v4, v10;
	v4 =	vmul.f32 v50, v8  }
0xd2: {  	v0 =	vmul.f32 v55, v21;
	v1 =	vadd.f32 v11, v1;
	v11 =	vmul.f32 v5, v46;
	v46 =	vmovc v20;
	v20 =	vld [tilespmem:$0x1FE00]  }
0xd3: {  	v4 =	vadd.f32 v4, v7;
	v7 =	vadd.f32 v63, v13;
	v13 =	vmul.f32 v53, v52;
	v52 =	vld [tilespmem:$0x1FFC0]  }
0xd4: {  	v60 =	vadd.f32 v58, v6;
	[tilespmem:$0x1FD60] =	vst v0;
	v0 =	vmul.f32 v5, v19;
	v19 =	vld [tilespmem:$0x1FF00];
	v6 =	vmul.f32 v55, v8;
	_ =	sdelay $0x1  }
0xd5: {  	v62 =	vmul.f32 v48, v31;
	v2 =	vadd.f32 v3, v2;
	[tilespmem:$0x1FD80] =	vst v6;
	v6 =	vmul.f32 v49, v44  }
0xd6: {  	v12 =	vmul.f32 v53, v43;
	v43 =	vmovc v41;
	v41 =	vmovc v38;
	v38 =	vmov v37;
	v8 =	vmul.f32 v53, v23  }
0xd7: {  	v37 =	vmovc v34;
	v61 =	vadd.f32 v62, v6;
	v6 =	vmul.f32 v5, v24;
	v1 =	vadd.f32 v1, v52  }
0xd8: {  	v34 =	vmovc v33;
	v33 =	vmovc v31;
	v31 =	vmov v29;
	s22 =	smov.u32 s29;
	v2 =	vadd.f32 v2, v20;
	v9 =	vmul.f32 v49, v19  }
0xd9: {  	v6 =	vadd.f32 v6, v8;
	v8 =	vmul.f32 v55, v32;
	[tilespmem:s22+$0x12000] =	vst v1;
	v1 =	vmul.f32 v53, v19;
	v19 =	vld [tilespmem:$0x1FF30]  }
0xda: {  	v63 =	vmul.f32 v5, v14;
	v62 =	vadd.f32 v15, v9;
	v9 =	vmul.f32 v53, v17  }
0xdb: {  	v3 =	vmul.f32 v5, v25;
	v25 =	vmovc v51;
	v51 =	vmovc v31;
	v31 =	vmov v33;
	v7 =	vadd.f32 v8, v7  }
0xdc: {  	[tilespmem:s22+$0x8000] =	vst v2;
	v4 =	vadd.f32 v4, v47;
	v2 =	vadd.f32 v63, v9;
	v9 =	vmul.f32 v55, v35  }
0xdd: {  	v14 =	vmul.f32 v5, v31;
	v7 =	vadd.f32 v7, v28  }
0xde: {  	[tilespmem:s22+$0x14000] =	vst v4;
	v4 =	vadd.f32 v3, v13;
	v9 =	vadd.f32 v9, v2;
	v13 =	vmul.f32 v55, v19  }
0xdf: {  	v2 =	vmul.f32 v5, v26;
	v1 =	vadd.f32 v11, v1;
	v11 =	vmul.f32 v5, v40;
	[tilespmem:s22+$0xA010] =	vst v7;
	v7 =	vld [tilespmem:$0x1FEC0]  }
0xe0: {  	v5 =	vmul.f32 v5, v22;
	v4 =	vadd.f32 v13, v4;
	v13 =	vmul.f32 v53, v18;
	_ =	sdelay $0x1  }
0xe1: {  	v2 =	vadd.f32 v2, v12;
	v12 =	vadd.f32 v5, v13;
	v13 =	vmul.f32 v55, v56;
	_ =	sdelay $0x1  }
0xe2: {  	v12 =	vadd.f32 v13, v12;
	v13 =	vmul.f32 v55, v7;
	_ =	sdelay $0x1  }
0xe3: {  	v15 =	vadd.f32 v12, v52;
	v12 =	vadd.f32 v13, v10;
	v10 =	vld [tilespmem:$0x1FD60]  }
0xe4: {  	v16 =	vmul.f32 v53, v16  }
0xe5: {  	v29 =	vld [tilespmem:$0x1FEB0];
	v47 =	vmul.f32 v55, v45;
	v8 =	vmul.f32 v53, v25  }
0xe6: {  	v11 =	vadd.f32 v11, v16;
	v18 =	vmul.f32 v50, v19;
	v19 =	vadd.f32 v4, v39;
	v4 =	vld [tilespmem:$0x1FD50]  }
0xe7: {  	s26 =	sadd.s32 $0x2, s26;
	v6 =	vadd.f32 v47, v6;
	v7 =	vadd.f32 v0, v8;
	v0 =	vld [tilespmem:$0x1FE60]  }
0xe8: {  	p0 =	slt.u32 s26, $0x7E;
	v33 =	vmov v34;
	v10 =	vadd.f32 v10, v11;
	v11 =	vadd.f32 v9, v36;
	v9 =	vld [tilespmem:$0x1FED0]  }
.Ltmp0:
0xe9: {  	v34 =	vmovc v37;
	v37 =	vmov v38;
	v58 =	vmul.f32 v55, v33;
	v6 =	vadd.f32 v6, v20;
	(pc) =	sbr.rel @p0 .LBB2_3-.Ltmp0, $4  }
0xea: {  	v38 =	vmovc v41;
	v41 =	vmovc v43;
	v3 =	vmul.f32 v50, v29;
	v63 =	vmul.f32 v50, v21;
	v21 =	vmov v23  }
0xeb: {  	v23 =	vmovc v24;
	v25 =	vmovc v27;
	v20 =	vmov v30;
	v28 =	vmov v54;
	[tilespmem:s22+$0x8010] =	vst v6;
	v56 =	vmul.f32 v53, v44  }
0xec: {  	v6 =	vmul.f32 v50, v33;
	v5 =	vmul.f32 v55, v29;
	[tilespmem:s22+$0xC010] =	vst v19;
	v4 =	vadd.f32 v18, v4  }
0xed: {  	s28 =	sadd.s32 $0x80, s28;
	v47 =	vld [tilespmem:$0x1FFA0];
	[tilespmem:s22+$0x12010] =	vst v15;
	v8 =	vmul.f32 v50, v0;
	v0 =	vadd.f32 v14, v56;
	v9 =	vmul.f32 v55, v9  }
0xee: {  	v12 =	vadd.f32 v12, v41  }
0xef: {  	v13 =	vld [tilespmem:$0x1FE60];
	[tilespmem:s22+$0xE010] =	vst v11  }
0xf0: {  	v5 =	vadd.f32 v5, v7;
	v7 =	vld [tilespmem:$0x1FEC0];
	[tilespmem:s22+$0x1A010] =	vst v12  }
0xf1: {  	v12 =	vld [tilespmem:$0x1FEE0];
	_ =	sdelay $0x2  }
0xf2: {  	v52 =	vadd.f32 v10, v20;
	v1 =	vadd.f32 v9, v1;
	_ =	sdelay $0x1  }
0xf3: {  	[tilespmem:s22+$0x6010] =	vst v52;
	v1 =	vadd.f32 v1, v12  }
0xf4: {  	v9 =	vld [tilespmem:$0x1FE40]  }
0xf5: {  	v54 =	vld [tilespmem:$0x1FE10];
	[tilespmem:s22+$0x1C010] =	vst v1  }
0xf6: {  	v13 =	vmul.f32 v55, v13;
	v11 =	vld [tilespmem:$0x1FE30];
	_ =	sdelay $0x1  }
0xf7: {  	v5 =	vadd.f32 v5, v51;
	v2 =	vadd.f32 v13, v2;
	_ =	sdelay $0x1  }
0xf8: {  	v2 =	vadd.f32 v2, v47;
	v1 =	vld [tilespmem:$0x1FDC0];
	[tilespmem:s22+$0x16010] =	vst v5  }
0xf9: {  	v5 =	vld [tilespmem:$0x1FD70];
	v4 =	vadd.f32 v4, v11  }
0xfa: {  	v55 =	vld [tilespmem:$0x1FDD0];
	[tilespmem:s22+$0x10010] =	vst v2  }
0xfb: {  	v8 =	vadd.f32 v8, v57;
	v57 =	vld [tilespmem:$0x1FE70];
	[tilespmem:s22+$0xC000] =	vst v4  }
0xfc: {  	v4 =	vld [tilespmem:$0x1FE50]  }
0xfd: {  	v9 =	vmul.f32 v50, v9  }
0xfe: {  	v8 =	vadd.f32 v8, v47  }
0xff: {  	v5 =	vadd.f32 v9, v5  }
0x100: {  	[tilespmem:s22+$0x10000] =	vst v8  }
0x101: {  	v4 =	vadd.f32 v5, v4;
	v5 =	vld [tilespmem:$0x1FE20]  }
0x102: {  	v10 =	vmul.f32 v50, v54  }
0x103: {  	v7 =	vmul.f32 v50, v7  }
0x104: {  	v56 =	vadd.f32 v10, v46;
	v1 =	vmul.f32 v49, v1;
	v9 =	vmul.f32 v48, v55  }
0x105: {  	v0 =	vadd.f32 v58, v0;
	v7 =	vadd.f32 v7, v60  }
0x106: {  	v1 =	vadd.f32 v9, v1;
	v2 =	vadd.f32 v56, v5  }
0x107: {  	v3 =	vadd.f32 v3, v59;
	v0 =	vadd.f32 v0, v34;
	[tilespmem:s22+$0xE000] =	vst v4  }
0x108: {  	v59 =	vadd.f32 v7, v41;
	v1 =	vadd.f32 v63, v1;
	[tilespmem:s22+$0xA000] =	vst v2  }
0x109: {  	v60 =	vadd.f32 v3, v51;
	v4 =	vadd.f32 v6, v61;
	v6 =	vld [tilespmem:$0x1FED0];
	[tilespmem:s22+$0x18010] =	vst v0  }
0x10a: {  	v1 =	vadd.f32 v1, v20;
	v3 =	vld [tilespmem:$0x1FD80];
	[tilespmem:s22+$0x1A000] =	vst v59  }
0x10b: {  	[tilespmem:s22+$0x16000] =	vst v60  }
0x10c: {  	v10 =	vmul.f32 v53, v57;
	[tilespmem:s22+$0x6000] =	vst v1  }
0x10d: {  	v1 =	vld [tilespmem:$0x1FE80]  }
0x10e: {  	v5 =	vadd.f32 v42, v10  }
0x10f: {  	v6 =	vmul.f32 v50, v6  }
0x110: {  	v3 =	vadd.f32 v3, v5  }
0x111: {  	v61 =	vadd.f32 v6, v62;
	v62 =	vadd.f32 v4, v34  }
0x112: {  	s26 =	sshll.u32 s21, $0xE;
	v1 =	vadd.f32 v3, v1  }
0x113: {  	s28 =	sor.u32 s26, s6;
	[tilespmem:s22+$0x18000] =	vst v62;
	v63 =	vadd.f32 v61, v12  }
0x114: {  	s28 =	sshrl.u32 s28, $0x3;
	[tilespmem:s22+$0x14010] =	vst v1  }
0x115: {  	s29 =	sadd.s32 $0x6000, s25;
	[tilespmem:s22+$0x1C000] =	vst v63;
	s22 =	sadd.s32 s1, s28  }
0x116: {  	[hbm4b:s22+s23] =	stream.strided.scatter [tilespmem:s29], [sflag:$0x3], $0x800, s24, s23, $0x38;
	[tilespmem:$0x1E200] =	vst v63  }
0x117: {  	s29 =	sor.u32 $0x20000, s28  }
0x118: {  	s28 =	sor.u32 $0x40000, s28;
	s22 =	sadd.s32 s1, s29;
	s29 =	sadd.s32 $0x8000, s25  }
0x119: {  	[hbm4b:s22+s23] =	stream.strided.scatter [tilespmem:s29], [sflag:$0x3], $0x800, s24, s23, $0x38;
	[tilespmem:$0x1E200] =	vst v63  }
0x11a: {  	s22 =	sadd.s32 s1, s28;
	s29 =	sadd.s32 $0xA000, s25;
	s28 =	sadd.s32 s15, s26  }
0x11b: {  	[hbm4b:s22+s23] =	stream.strided.scatter [tilespmem:s29], [sflag:$0x3], $0x800, s24, s23, $0x38;
	[tilespmem:$0x1E200] =	vst v63  }
0x11c: {  	s22 =	sshrl.u32 s28, $0x3  }
0x11d: {  	s29 =	sadd.s32 $0xC000, s25;
	s28 =	sadd.s32 s1, s22  }
0x11e: {  	[hbm4b:s28+s23] =	stream.strided.scatter [tilespmem:s29], [sflag:$0x3], $0x800, s24, s23, $0x38;
	[tilespmem:$0x1E200] =	vst v63  }
0x11f: {  	s29 =	sor.u32 $0x20000, s22  }
0x120: {  	s22 =	sor.u32 $0x40000, s22;
	s28 =	sadd.s32 s1, s29;
	s29 =	sadd.s32 $0xE000, s25  }
0x121: {  	[hbm4b:s28+s23] =	stream.strided.scatter [tilespmem:s29], [sflag:$0x3], $0x800, s24, s23, $0x38;
	[tilespmem:$0x1E200] =	vst v63  }
0x122: {  	s22 =	sadd.s32 s1, s22;
	s29 =	sadd.s32 $0x10000, s25;
	s28 =	sadd.s32 s16, s26  }
0x123: {  	[hbm4b:s22+s23] =	stream.strided.scatter [tilespmem:s29], [sflag:$0x3], $0x800, s24, s23, $0x38;
	[tilespmem:$0x1E200] =	vst v63  }
0x124: {  	v4 =	vld [tilespmem:$0x1FF10];
	s22 =	sshrl.u32 s28, $0x3  }
0x125: {  	v52 =	vld [tilespmem:$0x1FF20];
	s29 =	sadd.s32 $0x12000, s25;
	s28 =	sadd.s32 s1, s22  }
0x126: {  	v17 =	vld [tilespmem:$0x1FF30];
	[hbm4b:s28+s23] =	stream.strided.scatter [tilespmem:s29], [sflag:$0x3], $0x800, s24, s23, $0x38  }
0x127: {  	v18 =	vld [tilespmem:$0x1FF40];
	s29 =	sor.u32 $0x20000, s22  }
0x128: {  	v26 =	vld [tilespmem:$0x1FF50];
	s22 =	sor.u32 $0x40000, s22;
	s28 =	sadd.s32 s1, s29;
	s29 =	sadd.s32 $0x14000, s25  }
0x129: {  	v32 =	vld [tilespmem:$0x1FF60];
	[hbm4b:s28+s23] =	stream.strided.scatter [tilespmem:s29], [sflag:$0x3], $0x800, s24, s23, $0x38  }
0x12a: {  	v35 =	vld [tilespmem:$0x1FF70];
	s22 =	sadd.s32 s1, s22;
	s29 =	sadd.s32 $0x16000, s25;
	s28 =	sadd.s32 s17, s26  }
0x12b: {  	v36 =	vld [tilespmem:$0x1FF80];
	[hbm4b:s22+s23] =	stream.strided.scatter [tilespmem:s29], [sflag:$0x3], $0x800, s24, s23, $0x38  }
0x12c: {  	s21 =	sadd.s32 $0x1, s21;
	v19 =	vld [tilespmem:$0x1FF90];
	s22 =	sshrl.u32 s28, $0x3  }
0x12d: {  	p0 =	sne.s32 s21, $0x4;
	v14 =	vld [tilespmem:$0x1FFB0];
	s29 =	sadd.s32 $0x18000, s25;
	s26 =	sadd.s32 s1, s22  }
0x12e: {  	v44 =	vld [tilespmem:$0x1FFC0];
	[hbm4b:s26+s23] =	stream.strided.scatter [tilespmem:s29], [sflag:$0x3], $0x800, s24, s23, $0x38  }
.Ltmp1:
0x12f: {  	v39 =	vld [tilespmem:$0x1FFD0];
	s28 =	sor.u32 $0x20000, s22;
	(pc) =	sbr.rel @p0 .LBB2_2-.Ltmp1, $4  }
0x130: {  	v45 =	vld [tilespmem:$0x1FFE0];
	s22 =	sor.u32 $0x40000, s22;
	s26 =	sadd.s32 s1, s28;
	s29 =	sadd.s32 $0x1A000, s25  }
0x131: {  	v27 =	vld [tilespmem:$0x1FFF0];
	[hbm4b:s26+s23] =	stream.strided.scatter [tilespmem:s29], [sflag:$0x3], $0x800, s24, s23, $0x38  }
0x132: {  	s20 =	sadd.s32 $0x2000, s20;
	v43 =	vld [tilespmem:$0x1FF00];
	s22 =	sadd.s32 s1, s22;
	s29 =	sadd.s32 $0x1C000, s25  }
0x133: {  	v50 =	vld [tilespmem:$0x1FEF0];
	[hbm4b:s22+s23] =	stream.strided.scatter [tilespmem:s29], [sflag:$0x3], $0x800, s24, s23, $0x38  }
0x134: {  	_ =	swait.ge [sflag:s2], $0x800  }
0x135: {  	[sflag:s2] =	ssyncset.done $0x0  }
0x136: {  	[sflag:s2] =	ssyncadd.s32 $0xFFFFF800  }
0x137: {  	_ =	swait.ge [sflag:s2], $0x800  }
0x138: {  	[sflag:s2] =	ssyncset.done $0x0  }
0x139: {  	[sflag:s2] =	ssyncadd.s32 $0xFFFFF800  }
0x13a: {  	_ =	swait.ge [sflag:s2], $0x800  }
0x13b: {  	[sflag:s2] =	ssyncset.done $0x0  }
0x13c: {  	[sflag:s2] =	ssyncadd.s32 $0xFFFFF800  }
0x13d: {  	_ =	swait.ge [sflag:s2], $0x800  }
0x13e: {  	[sflag:s2] =	ssyncset.done $0x0  }
0x13f: {  	[sflag:s2] =	ssyncadd.s32 $0xFFFFF800  }
0x140: {  	_ =	swait.ge [sflag:s2], $0x800  }
0x141: {  	[sflag:s2] =	ssyncset.done $0x0  }
0x142: {  	[sflag:s2] =	ssyncadd.s32 $0xFFFFF800  }
0x143: {  	_ =	swait.ge [sflag:s2], $0x800  }
0x144: {  	[sflag:s2] =	ssyncset.done $0x0  }
0x145: {  	[sflag:s2] =	ssyncadd.s32 $0xFFFFF800  }
0x146: {  	_ =	swait.ge [sflag:s2], $0x800  }
0x147: {  	[sflag:s2] =	ssyncset.done $0x0  }
0x148: {  	[sflag:s2] =	ssyncadd.s32 $0xFFFFF800  }
0x149: {  	_ =	swait.ge [sflag:s2], $0x800  }
0x14a: {  	[sflag:s2] =	ssyncset.done $0x0  }
0x14b: {  	[sflag:s2] =	ssyncadd.s32 $0xFFFFF800  }
0x14c: {  	_ =	swait.ge [sflag:s2], $0x800  }
0x14d: {  	[sflag:s2] =	ssyncset.done $0x0  }
0x14e: {  	[sflag:s2] =	ssyncadd.s32 $0xFFFFF800  }
0x14f: {  	_ =	swait.ge [sflag:s2], $0x800  }
0x150: {  	[sflag:s2] =	ssyncset.done $0x0  }
0x151: {  	[sflag:s2] =	ssyncadd.s32 $0xFFFFF800  }
0x152: {  	_ =	swait.ge [sflag:s2], $0x800  }
0x153: {  	[sflag:s2] =	ssyncset.done $0x0  }
0x154: {  	[sflag:s2] =	ssyncadd.s32 $0xFFFFF800  }
0x155: {  	_ =	swait.ge [sflag:s2], $0x800  }
0x156: {  	[sflag:s2] =	ssyncset.done $0x0  }
0x157: {  	[sflag:s2] =	ssyncadd.s32 $0xFFFFF800  }
0x158: {  	_ =	swait.ge [sflag:s2], $0x800  }
0x159: {  	[sflag:s2] =	ssyncset.done $0x0  }
0x15a: {  	[sflag:s2] =	ssyncadd.s32 $0xFFFFF800  }
0x15b: {  	_ =	swait.ge [sflag:s2], $0x800  }
0x15c: {  	[sflag:s2] =	ssyncset.done $0x0  }
0x15d: {  	[sflag:s2] =	ssyncadd.s32 $0xFFFFF800  }
0x15e: {  	_ =	swait.ge [sflag:s2], $0x800  }
0x15f: {  	[sflag:s2] =	ssyncset.done $0x0  }
0x160: {  	[sflag:s2] =	ssyncadd.s32 $0xFFFFF800  }
0x161: {  	_ =	swait.ge [sflag:s2], $0x800  }
0x162: {  	[sflag:s2] =	ssyncset.done $0x0  }
0x163: {  	[sflag:s2] =	ssyncadd.s32 $0xFFFFF800  }
0x164: {  	_ =	swait.ge [sflag:s2], $0x800  }
0x165: {  	[sflag:s2] =	ssyncset.done $0x0  }
0x166: {  	[sflag:s2] =	ssyncadd.s32 $0xFFFFF800  }
0x167: {  	_ =	swait.ge [sflag:s2], $0x800  }
0x168: {  	[sflag:s2] =	ssyncset.done $0x0  }
0x169: {  	[sflag:s2] =	ssyncadd.s32 $0xFFFFF800  }
0x16a: {  	_ =	swait.ge [sflag:s2], $0x800  }
0x16b: {  	[sflag:s2] =	ssyncset.done $0x0  }
0x16c: {  	[sflag:s2] =	ssyncadd.s32 $0xFFFFF800  }
0x16d: {  	_ =	swait.ge [sflag:s2], $0x800  }
0x16e: {  	[sflag:s2] =	ssyncset.done $0x0  }
0x16f: {  	[sflag:s2] =	ssyncadd.s32 $0xFFFFF800  }
0x170: {  	_ =	swait.ge [sflag:s2], $0x800  }
0x171: {  	[sflag:s2] =	ssyncset.done $0x0  }
0x172: {  	[sflag:s2] =	ssyncadd.s32 $0xFFFFF800  }
0x173: {  	_ =	swait.ge [sflag:s2], $0x800  }
0x174: {  	[sflag:s2] =	ssyncset.done $0x0  }
0x175: {  	[sflag:s2] =	ssyncadd.s32 $0xFFFFF800  }
0x176: {  	_ =	swait.ge [sflag:s2], $0x800  }
0x177: {  	[sflag:s2] =	ssyncset.done $0x0  }
0x178: {  	[sflag:s2] =	ssyncadd.s32 $0xFFFFF800  }
0x179: {  	_ =	swait.ge [sflag:s2], $0x800  }
0x17a: {  	[sflag:s2] =	ssyncset.done $0x0  }
0x17b: {  	[sflag:s2] =	ssyncadd.s32 $0xFFFFF800  }
0x17c: {  	_ =	swait.ge [sflag:s2], $0x800  }
0x17d: {  	[sflag:s2] =	ssyncset.done $0x0  }
0x17e: {  	[sflag:s2] =	ssyncadd.s32 $0xFFFFF800  }
0x17f: {  	_ =	swait.ge [sflag:s2], $0x800  }
0x180: {  	[sflag:s2] =	ssyncset.done $0x0  }
0x181: {  	[sflag:s2] =	ssyncadd.s32 $0xFFFFF800  }
0x182: {  	_ =	swait.ge [sflag:s2], $0x800  }
0x183: {  	[sflag:s2] =	ssyncset.done $0x0  }
0x184: {  	[sflag:s2] =	ssyncadd.s32 $0xFFFFF800  }
0x185: {  	_ =	swait.ge [sflag:s2], $0x800  }
0x186: {  	[sflag:s2] =	ssyncset.done $0x0  }
0x187: {  	[sflag:s2] =	ssyncadd.s32 $0xFFFFF800  }
0x188: {  	_ =	swait.ge [sflag:s2], $0x800  }
0x189: {  	[sflag:s2] =	ssyncset.done $0x0  }
0x18a: {  	[sflag:s2] =	ssyncadd.s32 $0xFFFFF800  }
0x18b: {  	_ =	swait.ge [sflag:s2], $0x800  }
0x18c: {  	[sflag:s2] =	ssyncset.done $0x0  }
0x18d: {  	[sflag:s2] =	ssyncadd.s32 $0xFFFFF800  }
0x18e: {  	_ =	swait.ge [sflag:s2], $0x800  }
0x18f: {  	[sflag:s2] =	ssyncset.done $0x0  }
0x190: {  	[sflag:s2] =	ssyncadd.s32 $0xFFFFF800  }
0x191: {  	_ =	swait.ge [sflag:s2], $0x800  }
0x192: {  	[sflag:s2] =	ssyncset.done $0x0  }
0x193: {  	[sflag:s2] =	ssyncadd.s32 $0xFFFFF800  }
0x194: {  	_ =	swait.ge [sflag:s2], $0x800  }
0x195: {  	[sflag:s2] =	ssyncset.done $0x0  }
0x196: {  	[sflag:s2] =	ssyncadd.s32 $0xFFFFF800  }
0x197: {  	_ =	swait.ge [sflag:s2], $0x800  }
0x198: {  	[sflag:s2] =	ssyncset.done $0x0  }
0x199: {  	[sflag:s2] =	ssyncadd.s32 $0xFFFFF800  }
0x19a: {  	_ =	swait.ge [sflag:s2], $0x800  }
0x19b: {  	[sflag:s2] =	ssyncset.done $0x0  }
0x19c: {  	[sflag:s2] =	ssyncadd.s32 $0xFFFFF800  }
0x19d: {  	_ =	swait.ge [sflag:s2], $0x800  }
0x19e: {  	[sflag:s2] =	ssyncset.done $0x0  }
0x19f: {  	[sflag:s2] =	ssyncadd.s32 $0xFFFFF800  }
0x1a0: {  	_ =	swait.ge [sflag:s2], $0x800  }
0x1a1: {  	[sflag:s2] =	ssyncset.done $0x0  }
0x1a2: {  	[sflag:s2] =	ssyncadd.s32 $0xFFFFF800  }
0x1a3: {  	_ =	swait.ge [sflag:s2], $0x800  }
0x1a4: {  	[sflag:s2] =	ssyncset.done $0x0  }
0x1a5: {  	[sflag:s2] =	ssyncadd.s32 $0xFFFFF800  }
0x1a6: {  	_ =	swait.ge [sflag:s2], $0x800  }
0x1a7: {  	[sflag:s2] =	ssyncset.done $0x0  }
0x1a8: {  	[sflag:s2] =	ssyncadd.s32 $0xFFFFF800  }
0x1a9: {  	_ =	swait.ge [sflag:s2], $0x800  }
0x1aa: {  	[sflag:s2] =	ssyncset.done $0x0  }
0x1ab: {  	[sflag:s2] =	ssyncadd.s32 $0xFFFFF800  }
0x1ac: {  	_ =	swait.ge [sflag:s2], $0x800  }
0x1ad: {  	[sflag:s2] =	ssyncset.done $0x0  }
0x1ae: {  	[sflag:s2] =	ssyncadd.s32 $0xFFFFF800  }
0x1af: {  	_ =	swait.ge [sflag:s2], $0x800  }
0x1b0: {  	[sflag:s2] =	ssyncset.done $0x0  }
0x1b1: {  	[sflag:s2] =	ssyncadd.s32 $0xFFFFF800  }
0x1b2: {  	_ =	swait.ge [sflag:s2], $0x800  }
0x1b3: {  	[sflag:s2] =	ssyncset.done $0x0  }
0x1b4: {  	[sflag:s2] =	ssyncadd.s32 $0xFFFFF800  }
0x1b5: {  	_ =	swait.ge [sflag:s2], $0x800  }
0x1b6: {  	[sflag:s2] =	ssyncset.done $0x0  }
0x1b7: {  	[sflag:s2] =	ssyncadd.s32 $0xFFFFF800  }
0x1b8: {  	_ =	swait.ge [sflag:s2], $0x800  }
0x1b9: {  	[sflag:s2] =	ssyncset.done $0x0  }
0x1ba: {  	[sflag:s2] =	ssyncadd.s32 $0xFFFFF800  }
0x1bb: {  	_ =	swait.ge [sflag:s2], $0x800  }
0x1bc: {  	[sflag:s2] =	ssyncset.done $0x0  }
0x1bd: {  	s19 =	sadd.s32 $0x1, s19;
	[sflag:s2] =	ssyncadd.s32 $0xFFFFF800  }
0x1be: {  	p0 =	sne.s32 s19, s18;
	_ =	swait.ge [sflag:s2], $0x800  }
.Ltmp2:
0x1bf: {  	[sflag:s2] =	ssyncset.done $0x0;
	(pc) =	sbr.rel @p0 .LBB2_1-.Ltmp2, $4  }
0x1c0: {  	[sflag:s2] =	ssyncadd.s32 $0xFFFFF800  }
0x1c1: {  	_ =	swait.ge [sflag:s2], $0x800  }
0x1c2: {  	[sflag:s2] =	ssyncset.done $0x0  }
0x1c3: {  	[sflag:s2] =	ssyncadd.s32 $0xFFFFF800  }
0x1c4: {  	_ =	sfence.sel $0x180000  }
0x1c5: {  	[bflag:$0x0] =	sbarrier.arrive $0xFFFF  }
0x1c6: {  	_ =	strace $0x90000047  }
0x1c7: {  	s0 =	stileid.u32;
	[bflag:$0x2] =	sbarrier.arrive $0xFFFF  }
0x1c8: {  	p0 =	sne.s32 s0, $0x0;
	s0 =	rddreg [dreg:$0x3]  }
0x1c9: {  	s0 =	sadd.s32 @!p0 $0x100000, s0  }
0x1ca: {  	[sflag:s0] =	ssyncadd.tile.s32 @!p0 $0x1;
	_ =	shalt  }
.Lfunc_end2:
_tile_overlayer_lowered:
.L_overlay_start_2:
0x1cb: {  	(tag) =	ssettag $0x2  }
0x1cc: {  	s0 =	rddreg [dreg:$0x0];
	s2 =	stileid.u32  }
0x1cd: {  	s1 =	rddreg [dreg:$0x1];
	p0 =	sne.s32 s2, $0x0  }
0x1ce: {  	s3 =	rddreg [dreg:$0x2];
	[bflag:$0x3] =	sbarrier.arrive $0xFFFF;
	s2 =	simm.s32 @!p0 $0x1C04  }
0x1cf: {  	[timem:s3], [sflag:s2] =	dma.local @!p0 [hbm:s0], s1  }
0x1d0: {  	s0 =	simm.s32 @!p0 $0x4  }
0x1d1: {  	_ =	swait.ge @!p0 [sflag:s0], s1  }
0x1d2: {  	s1 =	ssub.s32 @!p0 $0x0, s1;
	[sflag:s0] =	ssyncset.done @!p0 $0x0  }
0x1d3: {  	[sflag:s0] =	ssyncadd.s32 @!p0 s1  }
0x1d4: {  	[bflag:$0x3] =	sbarrier.arrive $0xFFFF  }
0x1d5: {  	_ =	shalt  }

</sc_bundles>
